<compile_context>
chip_gen: v7x
topology: tpu7x:2x2x1
jax: 0.10.2.dev20260603
libtpu: 0.0.44.dev20260713+nightly
codegen_flags: <defaults>
</compile_context>

<pallas_src>
import functools

import jax
import jax.numpy as jnp
from jax import lax
from jax.experimental import pallas as pl
from jax.experimental.pallas import tpu as pltpu
from jax.experimental.pallas import tpu_sc as plsc

B_TOTAL = 16384 * 50
D_MODEL = 64
NUM_WORKERS = 32
PER_WORKER = B_TOTAL // NUM_WORKERS
CHUNK = 320
NCHUNK = PER_WORKER // CHUNK
NGRID = B_TOTAL // CHUNK
NBUF = 4
NGROUPS = NCHUNK // NBUF


def _make_kernel():
    mesh = plsc.VectorSubcoreMesh(core_axis_name="c", subcore_axis_name="s")

    @functools.partial(
        pl.kernel,
        mesh=mesh,
        out_type=jax.ShapeDtypeStruct((NGRID, CHUNK, D_MODEL), jnp.float32),
        scratch_types=[
            pltpu.VMEM((PER_WORKER,), jnp.int32),
            pltpu.VMEM((NBUF, CHUNK, D_MODEL), jnp.float32),
            pltpu.SemaphoreType.DMA,
            pltpu.SemaphoreType.DMA,
        ],
        compiler_params=pltpu.CompilerParams(use_tc_tiling_on_sc=False),
    )
    def k(table_hbm, x_hbm, out_hbm, idx_v, bufs, gsem, wsem):
        num_cores = 2
        wid = lax.axis_index("s") * num_cores + lax.axis_index("c")
        pltpu.sync_copy(x_hbm.at[pl.ds(wid * PER_WORKER, PER_WORKER)], idx_v)
        out_base = wid * NCHUNK

        def gather(j, b):
            return pltpu.make_async_copy(
                table_hbm.at[idx_v.at[pl.ds(j * CHUNK, CHUNK)]],
                bufs.at[b], gsem)

        def wback(j, b):
            return pltpu.make_async_copy(
                bufs.at[b], out_hbm.at[out_base + j], wsem)

        for b in range(NBUF):
            gather(b, b).start()

        def group(g, carry):
            g0 = g * NBUF
            for b in range(NBUF):
                gather(g0 + b, b).wait()
                wback(g0 + b, b).start()
            for b in range(NBUF):
                wback(g0 + b, b).wait()
                gather(g0 + NBUF + b, b).start()
            return carry

        lax.fori_loop(0, NGROUPS - 1, group, 0)

        g0 = (NGROUPS - 1) * NBUF
        for b in range(NBUF):
            gather(g0 + b, b).wait()
            wback(g0 + b, b).start()
        for b in range(NBUF):
            wback(g0 + b, b).wait()

    return k


_gather_kernel = _make_kernel()


@jax.jit
def kernel(x, table):
    x_flat = x.reshape(B_TOTAL)
    out = _gather_kernel(table, x_flat)
    return out.reshape(x.shape[0], x.shape[1], D_MODEL)

# --- scband reference (transcript-rebuilt; emitter-appended) ---
"""Pipeline reference for scband-fixed-embedding-1365799600660 (READ-ONLY COPY).

The authoritative reference and input builder live on the scoring server;
editing this copy changes nothing except your own understanding.
"""

import jax, jax.numpy as jnp
import numpy as np
import math

C_IN = 100000
D_MODEL = 64

def _build_table():
    position = np.arange(0, C_IN, dtype=np.float32)[:, None]
    div_term = np.exp(np.arange(0, D_MODEL, 2, dtype=np.float32) * -(math.log(10000.0) / D_MODEL))
    w = np.zeros((C_IN, D_MODEL), dtype=np.float32)
    w[:, 0::2] = np.sin(position * div_term)
    w[:, 1::2] = np.cos(position * div_term)
    return jnp.asarray(w)

def setup_inputs(seed: int = 0):
    key = jax.random.key(seed)
    x = jax.random.randint(key, (16384, 50), 0, C_IN, dtype=jnp.int32)
    table = _build_table()
    return {"x": x, "table": table}

def reference(x, table):
    # FixedEmbedding.forward: embedding lookup into fixed sinusoidal table, detached
    out = jnp.take(table, x, axis=0)
    return jax.lax.stop_gradient(out)

if __name__ == "__main__":
    import jax
    _d = setup_inputs()
    print(jax.jit(kernel)(*tuple(_d.values())))

</pallas_src>

<mosaic_0001>
#map = affine_map<(d0, d1) -> (0, 0)>
#map1 = affine_map<(d0, d1) -> (0)>
#map2 = affine_map<(d0, d1) -> (0, 0, 0)>
module attributes {stable_mosaic.version = 14 : i64} {
  func.func @k(%arg0: i32, %arg1: i32, %arg2: memref<100000x64xf32, #tpu.memory_space<hbm>>, %arg3: memref<819200xi32, #tpu.memory_space<hbm>>, %arg4: memref<2560x320x64xf32, #tpu.memory_space<hbm>>, %arg5: memref<25600xi32, #tpu.memory_space<vmem>>, %arg6: memref<4x320x64xf32, #tpu.memory_space<vmem>>, %arg7: memref<!tpu.dma_semaphore, #tpu.memory_space<semaphore_mem>>, %arg8: memref<!tpu.dma_semaphore, #tpu.memory_space<semaphore_mem>>) attributes {dimension_semantics = [#tpu.dimension_semantics<core_parallel>, #tpu.dimension_semantics<subcore_parallel>], iteration_bounds = array<i64: 2, 16>, scalar_prefetch = 0 : i64, scratch_operands = 4 : i64, tpu.core_type = #tpu.core_type<sc_vector_subcore>, window_params = [{transform_indices = #map}, {transform_indices = #map1}, {transform_indices = #map2}]} {
    %mul3A = arith.constant 2 : i32
    %mul3A_0 = arith.muli %arg1, %mul3A : i32
    %add3A = arith.addi %mul3A_0, %arg0 : i32
    %mul3A_1 = arith.constant 25600 : i32
    %mul3A_2 = arith.muli %add3A, %mul3A_1 : i32
    "tpu.region"() ({
      %run_scoped3A = tpu.sem_alloc : memref<!tpu.dma_semaphore, #tpu.memory_space<semaphore_mem>>
      %dma_start3A_240 = tpu.memref_slice %arg3[%mul3A_2] : memref<819200xi32, #tpu.memory_space<hbm>> -> memref<25600xi32, #tpu.memory_space<hbm>>
      %dma_start3A_241 = tpu.memref_slice %arg3[%mul3A_2] : memref<819200xi32, #tpu.memory_space<hbm>> -> memref<25600xi32, #tpu.memory_space<hbm>>
      tpu.enqueue_dma source(%dma_start3A_241 : memref<25600xi32, #tpu.memory_space<hbm>>) target(%arg5 : memref<25600xi32, #tpu.memory_space<vmem>>) target_semaphore(%run_scoped3A : memref<!tpu.dma_semaphore, #tpu.memory_space<semaphore_mem>>)
      %dma_wait3A_242 = tpu.memref_slice %arg3[%mul3A_2] : memref<819200xi32, #tpu.memory_space<hbm>> -> memref<25600xi32, #tpu.memory_space<hbm>>
      %dma_wait3A_243 = tpu.memref_slice %arg3[%mul3A_2] : memref<819200xi32, #tpu.memory_space<hbm>> -> memref<25600xi32, #tpu.memory_space<hbm>>
      tpu.wait_dma2 semaphore(%run_scoped3A : memref<!tpu.dma_semaphore, #tpu.memory_space<semaphore_mem>>) src(%dma_wait3A_243 : memref<25600xi32, #tpu.memory_space<hbm>>) dst(%arg5 : memref<25600xi32, #tpu.memory_space<vmem>>)
      tpu.yield
    }) : () -> ()
    %mul3A_3 = arith.constant 80 : i32
    %mul3A_4 = arith.muli %add3A, %mul3A_3 : i32
    %dma_start3A = arith.constant 0 : i32
    %dma_start3A_5 = arith.constant 0 : i32
    %dma_start3A_6 = arith.constant 0 : i32
    %dma_start3A_7 = tpu.memref_slice %arg6[%dma_start3A, %dma_start3A_5, %dma_start3A_6] : memref<4x320x64xf32, #tpu.memory_space<vmem>> -> memref<1x320x64xf32, #tpu.memory_space<vmem>>
    %dma_start3A_8 = tpu.memref_squeeze %dma_start3A_7 : memref<1x320x64xf32, #tpu.memory_space<vmem>> -> memref<320x64xf32, #tpu.memory_space<vmem>>
    %dma_start3A_9 = arith.constant 0 : i32
    %dma_start3A_10 = tpu.memref_slice %arg5[%dma_start3A_9] : memref<25600xi32, #tpu.memory_space<vmem>> -> memref<320xi32, #tpu.memory_space<vmem>>
    %dma_start3A_11 = arith.constant 0 : i32
    %dma_start3A_12 = arith.constant 0 : i32
    %dma_start3A_13 = tpu.memref_slice %arg2[%dma_start3A_11, %dma_start3A_12] : memref<100000x64xf32, #tpu.memory_space<hbm>> -> memref<100000x64xf32, #tpu.memory_space<hbm>>
    tpu.enqueue_indirect_dma source(%dma_start3A_13 : memref<100000x64xf32, #tpu.memory_space<hbm>>) target(%dma_start3A_8 : memref<320x64xf32, #tpu.memory_space<vmem>>) offsets(%dma_start3A_10 : memref<320xi32, #tpu.memory_space<vmem>>) semaphore(%arg7 : memref<!tpu.dma_semaphore, #tpu.memory_space<semaphore_mem>>)
    %dma_start3A_14 = arith.constant 1 : i32
    %dma_start3A_15 = arith.constant 0 : i32
    %dma_start3A_16 = arith.constant 0 : i32
    %dma_start3A_17 = tpu.memref_slice %arg6[%dma_start3A_14, %dma_start3A_15, %dma_start3A_16] : memref<4x320x64xf32, #tpu.memory_space<vmem>> -> memref<1x320x64xf32, #tpu.memory_space<vmem>>
    %dma_start3A_18 = tpu.memref_squeeze %dma_start3A_17 : memref<1x320x64xf32, #tpu.memory_space<vmem>> -> memref<320x64xf32, #tpu.memory_space<vmem>>
    %dma_start3A_19 = arith.constant 320 : i32
    %dma_start3A_20 = tpu.memref_slice %arg5[%dma_start3A_19] : memref<25600xi32, #tpu.memory_space<vmem>> -> memref<320xi32, #tpu.memory_space<vmem>>
    %dma_start3A_21 = arith.constant 0 : i32
    %dma_start3A_22 = arith.constant 0 : i32
    %dma_start3A_23 = tpu.memref_slice %arg2[%dma_start3A_21, %dma_start3A_22] : memref<100000x64xf32, #tpu.memory_space<hbm>> -> memref<100000x64xf32, #tpu.memory_space<hbm>>
    tpu.enqueue_indirect_dma source(%dma_start3A_23 : memref<100000x64xf32, #tpu.memory_space<hbm>>) target(%dma_start3A_18 : memref<320x64xf32, #tpu.memory_space<vmem>>) offsets(%dma_start3A_20 : memref<320xi32, #tpu.memory_space<vmem>>) semaphore(%arg7 : memref<!tpu.dma_semaphore, #tpu.memory_space<semaphore_mem>>)
    %dma_start3A_24 = arith.constant 2 : i32
    %dma_start3A_25 = arith.constant 0 : i32
    %dma_start3A_26 = arith.constant 0 : i32
    %dma_start3A_27 = tpu.memref_slice %arg6[%dma_start3A_24, %dma_start3A_25, %dma_start3A_26] : memref<4x320x64xf32, #tpu.memory_space<vmem>> -> memref<1x320x64xf32, #tpu.memory_space<vmem>>
    %dma_start3A_28 = tpu.memref_squeeze %dma_start3A_27 : memref<1x320x64xf32, #tpu.memory_space<vmem>> -> memref<320x64xf32, #tpu.memory_space<vmem>>
    %dma_start3A_29 = arith.constant 640 : i32
    %dma_start3A_30 = tpu.memref_slice %arg5[%dma_start3A_29] : memref<25600xi32, #tpu.memory_space<vmem>> -> memref<320xi32, #tpu.memory_space<vmem>>
    %dma_start3A_31 = arith.constant 0 : i32
    %dma_start3A_32 = arith.constant 0 : i32
    %dma_start3A_33 = tpu.memref_slice %arg2[%dma_start3A_31, %dma_start3A_32] : memref<100000x64xf32, #tpu.memory_space<hbm>> -> memref<100000x64xf32, #tpu.memory_space<hbm>>
    tpu.enqueue_indirect_dma source(%dma_start3A_33 : memref<100000x64xf32, #tpu.memory_space<hbm>>) target(%dma_start3A_28 : memref<320x64xf32, #tpu.memory_space<vmem>>) offsets(%dma_start3A_30 : memref<320xi32, #tpu.memory_space<vmem>>) semaphore(%arg7 : memref<!tpu.dma_semaphore, #tpu.memory_space<semaphore_mem>>)
    %dma_start3A_34 = arith.constant 3 : i32
    %dma_start3A_35 = arith.constant 0 : i32
    %dma_start3A_36 = arith.constant 0 : i32
    %dma_start3A_37 = tpu.memref_slice %arg6[%dma_start3A_34, %dma_start3A_35, %dma_start3A_36] : memref<4x320x64xf32, #tpu.memory_space<vmem>> -> memref<1x320x64xf32, #tpu.memory_space<vmem>>
    %dma_start3A_38 = tpu.memref_squeeze %dma_start3A_37 : memref<1x320x64xf32, #tpu.memory_space<vmem>> -> memref<320x64xf32, #tpu.memory_space<vmem>>
    %dma_start3A_39 = arith.constant 960 : i32
    %dma_start3A_40 = tpu.memref_slice %arg5[%dma_start3A_39] : memref<25600xi32, #tpu.memory_space<vmem>> -> memref<320xi32, #tpu.memory_space<vmem>>
    %dma_start3A_41 = arith.constant 0 : i32
    %dma_start3A_42 = arith.constant 0 : i32
    %dma_start3A_43 = tpu.memref_slice %arg2[%dma_start3A_41, %dma_start3A_42] : memref<100000x64xf32, #tpu.memory_space<hbm>> -> memref<100000x64xf32, #tpu.memory_space<hbm>>
    tpu.enqueue_indirect_dma source(%dma_start3A_43 : memref<100000x64xf32, #tpu.memory_space<hbm>>) target(%dma_start3A_38 : memref<320x64xf32, #tpu.memory_space<vmem>>) offsets(%dma_start3A_40 : memref<320xi32, #tpu.memory_space<vmem>>) semaphore(%arg7 : memref<!tpu.dma_semaphore, #tpu.memory_space<semaphore_mem>>)
    %scan3A = arith.constant 0 : i32
    %scan3A_44 = arith.constant 0 : i32
    %scan3A_45 = arith.constant 19 : i32
    %scan3A_46 = arith.addi %scan3A_44, %scan3A_45 : i32
    %scan3A_47 = arith.constant 1 : i32
    scf.for %scan3A_240 = %scan3A_44 to %scan3A_46 step %scan3A_47  : i32 {
      %mul3A_241 = arith.constant 4 : i32
      %mul3A_242 = arith.muli %scan3A_240, %mul3A_241 : i32
      %add3A_243 = arith.constant 0 : i32
      %add3A_244 = arith.addi %mul3A_242, %add3A_243 : i32
      %mul3A_245 = arith.constant 320 : i32
      %mul3A_246 = arith.muli %add3A_244, %mul3A_245 : i32
      %dma_wait3A_247 = arith.constant 0 : i32
      %dma_wait3A_248 = arith.constant 0 : i32
      %dma_wait3A_249 = arith.constant 0 : i32
      %dma_wait3A_250 = tpu.memref_slice %arg6[%dma_wait3A_247, %dma_wait3A_248, %dma_wait3A_249] : memref<4x320x64xf32, #tpu.memory_space<vmem>> -> memref<1x320x64xf32, #tpu.memory_space<vmem>>
      %dma_wait3A_251 = tpu.memref_squeeze %dma_wait3A_250 : memref<1x320x64xf32, #tpu.memory_space<vmem>> -> memref<320x64xf32, #tpu.memory_space<vmem>>
      %dma_wait3A_252 = tpu.memref_slice %arg5[%mul3A_246] : memref<25600xi32, #tpu.memory_space<vmem>> -> memref<320xi32, #tpu.memory_space<vmem>>
      %dma_wait3A_253 = arith.constant 0 : i32
      %dma_wait3A_254 = arith.constant 0 : i32
      %dma_wait3A_255 = tpu.memref_slice %arg2[%dma_wait3A_253, %dma_wait3A_254] : memref<100000x64xf32, #tpu.memory_space<hbm>> -> memref<100000x64xf32, #tpu.memory_space<hbm>>
      tpu.wait_indirect_dma semaphore(%arg7 : memref<!tpu.dma_semaphore, #tpu.memory_space<semaphore_mem>>) src(%dma_wait3A_255 : memref<100000x64xf32, #tpu.memory_space<hbm>>) dst(%dma_wait3A_251 : memref<320x64xf32, #tpu.memory_space<vmem>>)
      %add3A_256 = arith.constant 0 : i32
      %add3A_257 = arith.addi %mul3A_242, %add3A_256 : i32
      %add3A_258 = arith.addi %mul3A_4, %add3A_257 : i32
      %dma_start3A_259 = arith.constant 0 : i32
      %dma_start3A_260 = arith.constant 0 : i32
      %dma_start3A_261 = arith.constant 0 : i32
      %dma_start3A_262 = tpu.memref_slice %arg6[%dma_start3A_259, %dma_start3A_260, %dma_start3A_261] : memref<4x320x64xf32, #tpu.memory_space<vmem>> -> memref<1x320x64xf32, #tpu.memory_space<vmem>>
      %dma_start3A_263 = tpu.memref_squeeze %dma_start3A_262 : memref<1x320x64xf32, #tpu.memory_space<vmem>> -> memref<320x64xf32, #tpu.memory_space<vmem>>
      %dma_start3A_264 = arith.constant 0 : i32
      %dma_start3A_265 = arith.constant 0 : i32
      %dma_start3A_266 = tpu.memref_slice %arg4[%add3A_258, %dma_start3A_264, %dma_start3A_265] : memref<2560x320x64xf32, #tpu.memory_space<hbm>> -> memref<1x320x64xf32, #tpu.memory_space<hbm>>
      %dma_start3A_267 = tpu.memref_squeeze %dma_start3A_266 : memref<1x320x64xf32, #tpu.memory_space<hbm>> -> memref<320x64xf32, #tpu.memory_space<hbm>>
      %dma_start3A_268 = arith.constant 0 : i32
      %dma_start3A_269 = arith.constant 0 : i32
      %dma_start3A_270 = tpu.memref_slice %arg4[%add3A_258, %dma_start3A_268, %dma_start3A_269] : memref<2560x320x64xf32, #tpu.memory_space<hbm>> -> memref<1x320x64xf32, #tpu.memory_space<hbm>>
      %dma_start3A_271 = tpu.memref_squeeze %dma_start3A_270 : memref<1x320x64xf32, #tpu.memory_space<hbm>> -> memref<320x64xf32, #tpu.memory_space<hbm>>
      %dma_start3A_272 = arith.constant 0 : i32
      %dma_start3A_273 = arith.constant 0 : i32
      %dma_start3A_274 = tpu.memref_slice %arg6[%dma_start3A_259, %dma_start3A_272, %dma_start3A_273] : memref<4x320x64xf32, #tpu.memory_space<vmem>> -> memref<1x320x64xf32, #tpu.memory_space<vmem>>
      %dma_start3A_275 = tpu.memref_squeeze %dma_start3A_274 : memref<1x320x64xf32, #tpu.memory_space<vmem>> -> memref<320x64xf32, #tpu.memory_space<vmem>>
      tpu.enqueue_dma source(%dma_start3A_275 : memref<320x64xf32, #tpu.memory_space<vmem>>) target(%dma_start3A_271 : memref<320x64xf32, #tpu.memory_space<hbm>>) target_semaphore(%arg8 : memref<!tpu.dma_semaphore, #tpu.memory_space<semaphore_mem>>)
      %add3A_276 = arith.constant 1 : i32
      %add3A_277 = arith.addi %mul3A_242, %add3A_276 : i32
      %mul3A_278 = arith.constant 320 : i32
      %mul3A_279 = arith.muli %add3A_277, %mul3A_278 : i32
      %dma_wait3A_280 = arith.constant 1 : i32
      %dma_wait3A_281 = arith.constant 0 : i32
      %dma_wait3A_282 = arith.constant 0 : i32
      %dma_wait3A_283 = tpu.memref_slice %arg6[%dma_wait3A_280, %dma_wait3A_281, %dma_wait3A_282] : memref<4x320x64xf32, #tpu.memory_space<vmem>> -> memref<1x320x64xf32, #tpu.memory_space<vmem>>
      %dma_wait3A_284 = tpu.memref_squeeze %dma_wait3A_283 : memref<1x320x64xf32, #tpu.memory_space<vmem>> -> memref<320x64xf32, #tpu.memory_space<vmem>>
      %dma_wait3A_285 = tpu.memref_slice %arg5[%mul3A_279] : memref<25600xi32, #tpu.memory_space<vmem>> -> memref<320xi32, #tpu.memory_space<vmem>>
      %dma_wait3A_286 = arith.constant 0 : i32
      %dma_wait3A_287 = arith.constant 0 : i32
      %dma_wait3A_288 = tpu.memref_slice %arg2[%dma_wait3A_286, %dma_wait3A_287] : memref<100000x64xf32, #tpu.memory_space<hbm>> -> memref<100000x64xf32, #tpu.memory_space<hbm>>
      tpu.wait_indirect_dma semaphore(%arg7 : memref<!tpu.dma_semaphore, #tpu.memory_space<semaphore_mem>>) src(%dma_wait3A_288 : memref<100000x64xf32, #tpu.memory_space<hbm>>) dst(%dma_wait3A_284 : memref<320x64xf32, #tpu.memory_space<vmem>>)
      %add3A_289 = arith.constant 1 : i32
      %add3A_290 = arith.addi %mul3A_242, %add3A_289 : i32
      %add3A_291 = arith.addi %mul3A_4, %add3A_290 : i32
      %dma_start3A_292 = arith.constant 1 : i32
      %dma_start3A_293 = arith.constant 0 : i32
      %dma_start3A_294 = arith.constant 0 : i32
      %dma_start3A_295 = tpu.memref_slice %arg6[%dma_start3A_292, %dma_start3A_293, %dma_start3A_294] : memref<4x320x64xf32, #tpu.memory_space<vmem>> -> memref<1x320x64xf32, #tpu.memory_space<vmem>>
      %dma_start3A_296 = tpu.memref_squeeze %dma_start3A_295 : memref<1x320x64xf32, #tpu.memory_space<vmem>> -> memref<320x64xf32, #tpu.memory_space<vmem>>
      %dma_start3A_297 = arith.constant 0 : i32
      %dma_start3A_298 = arith.constant 0 : i32
      %dma_start3A_299 = tpu.memref_slice %arg4[%add3A_291, %dma_start3A_297, %dma_start3A_298] : memref<2560x320x64xf32, #tpu.memory_space<hbm>> -> memref<1x320x64xf32, #tpu.memory_space<hbm>>
      %dma_start3A_300 = tpu.memref_squeeze %dma_start3A_299 : memref<1x320x64xf32, #tpu.memory_space<hbm>> -> memref<320x64xf32, #tpu.memory_space<hbm>>
      %dma_start3A_301 = arith.constant 0 : i32
      %dma_start3A_302 = arith.constant 0 : i32
      %dma_start3A_303 = tpu.memref_slice %arg4[%add3A_291, %dma_start3A_301, %dma_start3A_302] : memref<2560x320x64xf32, #tpu.memory_space<hbm>> -> memref<1x320x64xf32, #tpu.memory_space<hbm>>
      %dma_start3A_304 = tpu.memref_squeeze %dma_start3A_303 : memref<1x320x64xf32, #tpu.memory_space<hbm>> -> memref<320x64xf32, #tpu.memory_space<hbm>>
      %dma_start3A_305 = arith.constant 0 : i32
      %dma_start3A_306 = arith.constant 0 : i32
      %dma_start3A_307 = tpu.memref_slice %arg6[%dma_start3A_292, %dma_start3A_305, %dma_start3A_306] : memref<4x320x64xf32, #tpu.memory_space<vmem>> -> memref<1x320x64xf32, #tpu.memory_space<vmem>>
      %dma_start3A_308 = tpu.memref_squeeze %dma_start3A_307 : memref<1x320x64xf32, #tpu.memory_space<vmem>> -> memref<320x64xf32, #tpu.memory_space<vmem>>
      tpu.enqueue_dma source(%dma_start3A_308 : memref<320x64xf32, #tpu.memory_space<vmem>>) target(%dma_start3A_304 : memref<320x64xf32, #tpu.memory_space<hbm>>) target_semaphore(%arg8 : memref<!tpu.dma_semaphore, #tpu.memory_space<semaphore_mem>>)
      %add3A_309 = arith.constant 2 : i32
      %add3A_310 = arith.addi %mul3A_242, %add3A_309 : i32
      %mul3A_311 = arith.constant 320 : i32
      %mul3A_312 = arith.muli %add3A_310, %mul3A_311 : i32
      %dma_wait3A_313 = arith.constant 2 : i32
      %dma_wait3A_314 = arith.constant 0 : i32
      %dma_wait3A_315 = arith.constant 0 : i32
      %dma_wait3A_316 = tpu.memref_slice %arg6[%dma_wait3A_313, %dma_wait3A_314, %dma_wait3A_315] : memref<4x320x64xf32, #tpu.memory_space<vmem>> -> memref<1x320x64xf32, #tpu.memory_space<vmem>>
      %dma_wait3A_317 = tpu.memref_squeeze %dma_wait3A_316 : memref<1x320x64xf32, #tpu.memory_space<vmem>> -> memref<320x64xf32, #tpu.memory_space<vmem>>
      %dma_wait3A_318 = tpu.memref_slice %arg5[%mul3A_312] : memref<25600xi32, #tpu.memory_space<vmem>> -> memref<320xi32, #tpu.memory_space<vmem>>
      %dma_wait3A_319 = arith.constant 0 : i32
      %dma_wait3A_320 = arith.constant 0 : i32
      %dma_wait3A_321 = tpu.memref_slice %arg2[%dma_wait3A_319, %dma_wait3A_320] : memref<100000x64xf32, #tpu.memory_space<hbm>> -> memref<100000x64xf32, #tpu.memory_space<hbm>>
      tpu.wait_indirect_dma semaphore(%arg7 : memref<!tpu.dma_semaphore, #tpu.memory_space<semaphore_mem>>) src(%dma_wait3A_321 : memref<100000x64xf32, #tpu.memory_space<hbm>>) dst(%dma_wait3A_317 : memref<320x64xf32, #tpu.memory_space<vmem>>)
      %add3A_322 = arith.constant 2 : i32
      %add3A_323 = arith.addi %mul3A_242, %add3A_322 : i32
      %add3A_324 = arith.addi %mul3A_4, %add3A_323 : i32
      %dma_start3A_325 = arith.constant 2 : i32
      %dma_start3A_326 = arith.constant 0 : i32
      %dma_start3A_327 = arith.constant 0 : i32
      %dma_start3A_328 = tpu.memref_slice %arg6[%dma_start3A_325, %dma_start3A_326, %dma_start3A_327] : memref<4x320x64xf32, #tpu.memory_space<vmem>> -> memref<1x320x64xf32, #tpu.memory_space<vmem>>
      %dma_start3A_329 = tpu.memref_squeeze %dma_start3A_328 : memref<1x320x64xf32, #tpu.memory_space<vmem>> -> memref<320x64xf32, #tpu.memory_space<vmem>>
      %dma_start3A_330 = arith.constant 0 : i32
      %dma_start3A_331 = arith.constant 0 : i32
      %dma_start3A_332 = tpu.memref_slice %arg4[%add3A_324, %dma_start3A_330, %dma_start3A_331] : memref<2560x320x64xf32, #tpu.memory_space<hbm>> -> memref<1x320x64xf32, #tpu.memory_space<hbm>>
      %dma_start3A_333 = tpu.memref_squeeze %dma_start3A_332 : memref<1x320x64xf32, #tpu.memory_space<hbm>> -> memref<320x64xf32, #tpu.memory_space<hbm>>
      %dma_start3A_334 = arith.constant 0 : i32
      %dma_start3A_335 = arith.constant 0 : i32
      %dma_start3A_336 = tpu.memref_slice %arg4[%add3A_324, %dma_start3A_334, %dma_start3A_335] : memref<2560x320x64xf32, #tpu.memory_space<hbm>> -> memref<1x320x64xf32, #tpu.memory_space<hbm>>
      %dma_start3A_337 = tpu.memref_squeeze %dma_start3A_336 : memref<1x320x64xf32, #tpu.memory_space<hbm>> -> memref<320x64xf32, #tpu.memory_space<hbm>>
      %dma_start3A_338 = arith.constant 0 : i32
      %dma_start3A_339 = arith.constant 0 : i32
      %dma_start3A_340 = tpu.memref_slice %arg6[%dma_start3A_325, %dma_start3A_338, %dma_start3A_339] : memref<4x320x64xf32, #tpu.memory_space<vmem>> -> memref<1x320x64xf32, #tpu.memory_space<vmem>>
      %dma_start3A_341 = tpu.memref_squeeze %dma_start3A_340 : memref<1x320x64xf32, #tpu.memory_space<vmem>> -> memref<320x64xf32, #tpu.memory_space<vmem>>
      tpu.enqueue_dma source(%dma_start3A_341 : memref<320x64xf32, #tpu.memory_space<vmem>>) target(%dma_start3A_337 : memref<320x64xf32, #tpu.memory_space<hbm>>) target_semaphore(%arg8 : memref<!tpu.dma_semaphore, #tpu.memory_space<semaphore_mem>>)
      %add3A_342 = arith.constant 3 : i32
      %add3A_343 = arith.addi %mul3A_242, %add3A_342 : i32
      %mul3A_344 = arith.constant 320 : i32
      %mul3A_345 = arith.muli %add3A_343, %mul3A_344 : i32
      %dma_wait3A_346 = arith.constant 3 : i32
      %dma_wait3A_347 = arith.constant 0 : i32
      %dma_wait3A_348 = arith.constant 0 : i32
      %dma_wait3A_349 = tpu.memref_slice %arg6[%dma_wait3A_346, %dma_wait3A_347, %dma_wait3A_348] : memref<4x320x64xf32, #tpu.memory_space<vmem>> -> memref<1x320x64xf32, #tpu.memory_space<vmem>>
      %dma_wait3A_350 = tpu.memref_squeeze %dma_wait3A_349 : memref<1x320x64xf32, #tpu.memory_space<vmem>> -> memref<320x64xf32, #tpu.memory_space<vmem>>
      %dma_wait3A_351 = tpu.memref_slice %arg5[%mul3A_345] : memref<25600xi32, #tpu.memory_space<vmem>> -> memref<320xi32, #tpu.memory_space<vmem>>
      %dma_wait3A_352 = arith.constant 0 : i32
      %dma_wait3A_353 = arith.constant 0 : i32
      %dma_wait3A_354 = tpu.memref_slice %arg2[%dma_wait3A_352, %dma_wait3A_353] : memref<100000x64xf32, #tpu.memory_space<hbm>> -> memref<100000x64xf32, #tpu.memory_space<hbm>>
      tpu.wait_indirect_dma semaphore(%arg7 : memref<!tpu.dma_semaphore, #tpu.memory_space<semaphore_mem>>) src(%dma_wait3A_354 : memref<100000x64xf32, #tpu.memory_space<hbm>>) dst(%dma_wait3A_350 : memref<320x64xf32, #tpu.memory_space<vmem>>)
      %add3A_355 = arith.constant 3 : i32
      %add3A_356 = arith.addi %mul3A_242, %add3A_355 : i32
      %add3A_357 = arith.addi %mul3A_4, %add3A_356 : i32
      %dma_start3A_358 = arith.constant 3 : i32
      %dma_start3A_359 = arith.constant 0 : i32
      %dma_start3A_360 = arith.constant 0 : i32
      %dma_start3A_361 = tpu.memref_slice %arg6[%dma_start3A_358, %dma_start3A_359, %dma_start3A_360] : memref<4x320x64xf32, #tpu.memory_space<vmem>> -> memref<1x320x64xf32, #tpu.memory_space<vmem>>
      %dma_start3A_362 = tpu.memref_squeeze %dma_start3A_361 : memref<1x320x64xf32, #tpu.memory_space<vmem>> -> memref<320x64xf32, #tpu.memory_space<vmem>>
      %dma_start3A_363 = arith.constant 0 : i32
      %dma_start3A_364 = arith.constant 0 : i32
      %dma_start3A_365 = tpu.memref_slice %arg4[%add3A_357, %dma_start3A_363, %dma_start3A_364] : memref<2560x320x64xf32, #tpu.memory_space<hbm>> -> memref<1x320x64xf32, #tpu.memory_space<hbm>>
      %dma_start3A_366 = tpu.memref_squeeze %dma_start3A_365 : memref<1x320x64xf32, #tpu.memory_space<hbm>> -> memref<320x64xf32, #tpu.memory_space<hbm>>
      %dma_start3A_367 = arith.constant 0 : i32
      %dma_start3A_368 = arith.constant 0 : i32
      %dma_start3A_369 = tpu.memref_slice %arg4[%add3A_357, %dma_start3A_367, %dma_start3A_368] : memref<2560x320x64xf32, #tpu.memory_space<hbm>> -> memref<1x320x64xf32, #tpu.memory_space<hbm>>
      %dma_start3A_370 = tpu.memref_squeeze %dma_start3A_369 : memref<1x320x64xf32, #tpu.memory_space<hbm>> -> memref<320x64xf32, #tpu.memory_space<hbm>>
      %dma_start3A_371 = arith.constant 0 : i32
      %dma_start3A_372 = arith.constant 0 : i32
      %dma_start3A_373 = tpu.memref_slice %arg6[%dma_start3A_358, %dma_start3A_371, %dma_start3A_372] : memref<4x320x64xf32, #tpu.memory_space<vmem>> -> memref<1x320x64xf32, #tpu.memory_space<vmem>>
      %dma_start3A_374 = tpu.memref_squeeze %dma_start3A_373 : memref<1x320x64xf32, #tpu.memory_space<vmem>> -> memref<320x64xf32, #tpu.memory_space<vmem>>
      tpu.enqueue_dma source(%dma_start3A_374 : memref<320x64xf32, #tpu.memory_space<vmem>>) target(%dma_start3A_370 : memref<320x64xf32, #tpu.memory_space<hbm>>) target_semaphore(%arg8 : memref<!tpu.dma_semaphore, #tpu.memory_space<semaphore_mem>>)
      %add3A_375 = arith.constant 0 : i32
      %add3A_376 = arith.addi %mul3A_242, %add3A_375 : i32
      %add3A_377 = arith.addi %mul3A_4, %add3A_376 : i32
      %dma_wait3A_378 = arith.constant 0 : i32
      %dma_wait3A_379 = arith.constant 0 : i32
      %dma_wait3A_380 = arith.constant 0 : i32
      %dma_wait3A_381 = tpu.memref_slice %arg6[%dma_wait3A_378, %dma_wait3A_379, %dma_wait3A_380] : memref<4x320x64xf32, #tpu.memory_space<vmem>> -> memref<1x320x64xf32, #tpu.memory_space<vmem>>
      %dma_wait3A_382 = tpu.memref_squeeze %dma_wait3A_381 : memref<1x320x64xf32, #tpu.memory_space<vmem>> -> memref<320x64xf32, #tpu.memory_space<vmem>>
      %dma_wait3A_383 = arith.constant 0 : i32
      %dma_wait3A_384 = arith.constant 0 : i32
      %dma_wait3A_385 = tpu.memref_slice %arg4[%add3A_377, %dma_wait3A_383, %dma_wait3A_384] : memref<2560x320x64xf32, #tpu.memory_space<hbm>> -> memref<1x320x64xf32, #tpu.memory_space<hbm>>
      %dma_wait3A_386 = tpu.memref_squeeze %dma_wait3A_385 : memref<1x320x64xf32, #tpu.memory_space<hbm>> -> memref<320x64xf32, #tpu.memory_space<hbm>>
      %dma_wait3A_387 = arith.constant 0 : i32
      %dma_wait3A_388 = arith.constant 0 : i32
      %dma_wait3A_389 = tpu.memref_slice %arg4[%add3A_377, %dma_wait3A_387, %dma_wait3A_388] : memref<2560x320x64xf32, #tpu.memory_space<hbm>> -> memref<1x320x64xf32, #tpu.memory_space<hbm>>
      %dma_wait3A_390 = tpu.memref_squeeze %dma_wait3A_389 : memref<1x320x64xf32, #tpu.memory_space<hbm>> -> memref<320x64xf32, #tpu.memory_space<hbm>>
      %dma_wait3A_391 = arith.constant 0 : i32
      %dma_wait3A_392 = arith.constant 0 : i32
      %dma_wait3A_393 = tpu.memref_slice %arg6[%dma_wait3A_378, %dma_wait3A_391, %dma_wait3A_392] : memref<4x320x64xf32, #tpu.memory_space<vmem>> -> memref<1x320x64xf32, #tpu.memory_space<vmem>>
      %dma_wait3A_394 = tpu.memref_squeeze %dma_wait3A_393 : memref<1x320x64xf32, #tpu.memory_space<vmem>> -> memref<320x64xf32, #tpu.memory_space<vmem>>
      tpu.wait_dma2 semaphore(%arg8 : memref<!tpu.dma_semaphore, #tpu.memory_space<semaphore_mem>>) src(%dma_wait3A_394 : memref<320x64xf32, #tpu.memory_space<vmem>>) dst(%dma_wait3A_390 : memref<320x64xf32, #tpu.memory_space<hbm>>)
      %add3A_395 = arith.constant 4 : i32
      %add3A_396 = arith.addi %mul3A_242, %add3A_395 : i32
      %add3A_397 = arith.constant 0 : i32
      %add3A_398 = arith.addi %add3A_396, %add3A_397 : i32
      %mul3A_399 = arith.constant 320 : i32
      %mul3A_400 = arith.muli %add3A_398, %mul3A_399 : i32
      %dma_start3A_401 = arith.constant 0 : i32
      %dma_start3A_402 = arith.constant 0 : i32
      %dma_start3A_403 = arith.constant 0 : i32
      %dma_start3A_404 = tpu.memref_slice %arg6[%dma_start3A_401, %dma_start3A_402, %dma_start3A_403] : memref<4x320x64xf32, #tpu.memory_space<vmem>> -> memref<1x320x64xf32, #tpu.memory_space<vmem>>
      %dma_start3A_405 = tpu.memref_squeeze %dma_start3A_404 : memref<1x320x64xf32, #tpu.memory_space<vmem>> -> memref<320x64xf32, #tpu.memory_space<vmem>>
      %dma_start3A_406 = tpu.memref_slice %arg5[%mul3A_400] : memref<25600xi32, #tpu.memory_space<vmem>> -> memref<320xi32, #tpu.memory_space<vmem>>
      %dma_start3A_407 = arith.constant 0 : i32
      %dma_start3A_408 = arith.constant 0 : i32
      %dma_start3A_409 = tpu.memref_slice %arg2[%dma_start3A_407, %dma_start3A_408] : memref<100000x64xf32, #tpu.memory_space<hbm>> -> memref<100000x64xf32, #tpu.memory_space<hbm>>
      tpu.enqueue_indirect_dma source(%dma_start3A_409 : memref<100000x64xf32, #tpu.memory_space<hbm>>) target(%dma_start3A_405 : memref<320x64xf32, #tpu.memory_space<vmem>>) offsets(%dma_start3A_406 : memref<320xi32, #tpu.memory_space<vmem>>) semaphore(%arg7 : memref<!tpu.dma_semaphore, #tpu.memory_space<semaphore_mem>>)
      %add3A_410 = arith.constant 1 : i32
      %add3A_411 = arith.addi %mul3A_242, %add3A_410 : i32
      %add3A_412 = arith.addi %mul3A_4, %add3A_411 : i32
      %dma_wait3A_413 = arith.constant 1 : i32
      %dma_wait3A_414 = arith.constant 0 : i32
      %dma_wait3A_415 = arith.constant 0 : i32
      %dma_wait3A_416 = tpu.memref_slice %arg6[%dma_wait3A_413, %dma_wait3A_414, %dma_wait3A_415] : memref<4x320x64xf32, #tpu.memory_space<vmem>> -> memref<1x320x64xf32, #tpu.memory_space<vmem>>
      %dma_wait3A_417 = tpu.memref_squeeze %dma_wait3A_416 : memref<1x320x64xf32, #tpu.memory_space<vmem>> -> memref<320x64xf32, #tpu.memory_space<vmem>>
      %dma_wait3A_418 = arith.constant 0 : i32
      %dma_wait3A_419 = arith.constant 0 : i32
      %dma_wait3A_420 = tpu.memref_slice %arg4[%add3A_412, %dma_wait3A_418, %dma_wait3A_419] : memref<2560x320x64xf32, #tpu.memory_space<hbm>> -> memref<1x320x64xf32, #tpu.memory_space<hbm>>
      %dma_wait3A_421 = tpu.memref_squeeze %dma_wait3A_420 : memref<1x320x64xf32, #tpu.memory_space<hbm>> -> memref<320x64xf32, #tpu.memory_space<hbm>>
      %dma_wait3A_422 = arith.constant 0 : i32
      %dma_wait3A_423 = arith.constant 0 : i32
      %dma_wait3A_424 = tpu.memref_slice %arg4[%add3A_412, %dma_wait3A_422, %dma_wait3A_423] : memref<2560x320x64xf32, #tpu.memory_space<hbm>> -> memref<1x320x64xf32, #tpu.memory_space<hbm>>
      %dma_wait3A_425 = tpu.memref_squeeze %dma_wait3A_424 : memref<1x320x64xf32, #tpu.memory_space<hbm>> -> memref<320x64xf32, #tpu.memory_space<hbm>>
      %dma_wait3A_426 = arith.constant 0 : i32
      %dma_wait3A_427 = arith.constant 0 : i32
      %dma_wait3A_428 = tpu.memref_slice %arg6[%dma_wait3A_413, %dma_wait3A_426, %dma_wait3A_427] : memref<4x320x64xf32, #tpu.memory_space<vmem>> -> memref<1x320x64xf32, #tpu.memory_space<vmem>>
      %dma_wait3A_429 = tpu.memref_squeeze %dma_wait3A_428 : memref<1x320x64xf32, #tpu.memory_space<vmem>> -> memref<320x64xf32, #tpu.memory_space<vmem>>
      tpu.wait_dma2 semaphore(%arg8 : memref<!tpu.dma_semaphore, #tpu.memory_space<semaphore_mem>>) src(%dma_wait3A_429 : memref<320x64xf32, #tpu.memory_space<vmem>>) dst(%dma_wait3A_425 : memref<320x64xf32, #tpu.memory_space<hbm>>)
      %add3A_430 = arith.constant 4 : i32
      %add3A_431 = arith.addi %mul3A_242, %add3A_430 : i32
      %add3A_432 = arith.constant 1 : i32
      %add3A_433 = arith.addi %add3A_431, %add3A_432 : i32
      %mul3A_434 = arith.constant 320 : i32
      %mul3A_435 = arith.muli %add3A_433, %mul3A_434 : i32
      %dma_start3A_436 = arith.constant 1 : i32
      %dma_start3A_437 = arith.constant 0 : i32
      %dma_start3A_438 = arith.constant 0 : i32
      %dma_start3A_439 = tpu.memref_slice %arg6[%dma_start3A_436, %dma_start3A_437, %dma_start3A_438] : memref<4x320x64xf32, #tpu.memory_space<vmem>> -> memref<1x320x64xf32, #tpu.memory_space<vmem>>
      %dma_start3A_440 = tpu.memref_squeeze %dma_start3A_439 : memref<1x320x64xf32, #tpu.memory_space<vmem>> -> memref<320x64xf32, #tpu.memory_space<vmem>>
      %dma_start3A_441 = tpu.memref_slice %arg5[%mul3A_435] : memref<25600xi32, #tpu.memory_space<vmem>> -> memref<320xi32, #tpu.memory_space<vmem>>
      %dma_start3A_442 = arith.constant 0 : i32
      %dma_start3A_443 = arith.constant 0 : i32
      %dma_start3A_444 = tpu.memref_slice %arg2[%dma_start3A_442, %dma_start3A_443] : memref<100000x64xf32, #tpu.memory_space<hbm>> -> memref<100000x64xf32, #tpu.memory_space<hbm>>
      tpu.enqueue_indirect_dma source(%dma_start3A_444 : memref<100000x64xf32, #tpu.memory_space<hbm>>) target(%dma_start3A_440 : memref<320x64xf32, #tpu.memory_space<vmem>>) offsets(%dma_start3A_441 : memref<320xi32, #tpu.memory_space<vmem>>) semaphore(%arg7 : memref<!tpu.dma_semaphore, #tpu.memory_space<semaphore_mem>>)
      %add3A_445 = arith.constant 2 : i32
      %add3A_446 = arith.addi %mul3A_242, %add3A_445 : i32
      %add3A_447 = arith.addi %mul3A_4, %add3A_446 : i32
      %dma_wait3A_448 = arith.constant 2 : i32
      %dma_wait3A_449 = arith.constant 0 : i32
      %dma_wait3A_450 = arith.constant 0 : i32
      %dma_wait3A_451 = tpu.memref_slice %arg6[%dma_wait3A_448, %dma_wait3A_449, %dma_wait3A_450] : memref<4x320x64xf32, #tpu.memory_space<vmem>> -> memref<1x320x64xf32, #tpu.memory_space<vmem>>
      %dma_wait3A_452 = tpu.memref_squeeze %dma_wait3A_451 : memref<1x320x64xf32, #tpu.memory_space<vmem>> -> memref<320x64xf32, #tpu.memory_space<vmem>>
      %dma_wait3A_453 = arith.constant 0 : i32
      %dma_wait3A_454 = arith.constant 0 : i32
      %dma_wait3A_455 = tpu.memref_slice %arg4[%add3A_447, %dma_wait3A_453, %dma_wait3A_454] : memref<2560x320x64xf32, #tpu.memory_space<hbm>> -> memref<1x320x64xf32, #tpu.memory_space<hbm>>
      %dma_wait3A_456 = tpu.memref_squeeze %dma_wait3A_455 : memref<1x320x64xf32, #tpu.memory_space<hbm>> -> memref<320x64xf32, #tpu.memory_space<hbm>>
      %dma_wait3A_457 = arith.constant 0 : i32
      %dma_wait3A_458 = arith.constant 0 : i32
      %dma_wait3A_459 = tpu.memref_slice %arg4[%add3A_447, %dma_wait3A_457, %dma_wait3A_458] : memref<2560x320x64xf32, #tpu.memory_space<hbm>> -> memref<1x320x64xf32, #tpu.memory_space<hbm>>
      %dma_wait3A_460 = tpu.memref_squeeze %dma_wait3A_459 : memref<1x320x64xf32, #tpu.memory_space<hbm>> -> memref<320x64xf32, #tpu.memory_space<hbm>>
      %dma_wait3A_461 = arith.constant 0 : i32
      %dma_wait3A_462 = arith.constant 0 : i32
      %dma_wait3A_463 = tpu.memref_slice %arg6[%dma_wait3A_448, %dma_wait3A_461, %dma_wait3A_462] : memref<4x320x64xf32, #tpu.memory_space<vmem>> -> memref<1x320x64xf32, #tpu.memory_space<vmem>>
      %dma_wait3A_464 = tpu.memref_squeeze %dma_wait3A_463 : memref<1x320x64xf32, #tpu.memory_space<vmem>> -> memref<320x64xf32, #tpu.memory_space<vmem>>
      tpu.wait_dma2 semaphore(%arg8 : memref<!tpu.dma_semaphore, #tpu.memory_space<semaphore_mem>>) src(%dma_wait3A_464 : memref<320x64xf32, #tpu.memory_space<vmem>>) dst(%dma_wait3A_460 : memref<320x64xf32, #tpu.memory_space<hbm>>)
      %add3A_465 = arith.constant 4 : i32
      %add3A_466 = arith.addi %mul3A_242, %add3A_465 : i32
      %add3A_467 = arith.constant 2 : i32
      %add3A_468 = arith.addi %add3A_466, %add3A_467 : i32
      %mul3A_469 = arith.constant 320 : i32
      %mul3A_470 = arith.muli %add3A_468, %mul3A_469 : i32
      %dma_start3A_471 = arith.constant 2 : i32
      %dma_start3A_472 = arith.constant 0 : i32
      %dma_start3A_473 = arith.constant 0 : i32
      %dma_start3A_474 = tpu.memref_slice %arg6[%dma_start3A_471, %dma_start3A_472, %dma_start3A_473] : memref<4x320x64xf32, #tpu.memory_space<vmem>> -> memref<1x320x64xf32, #tpu.memory_space<vmem>>
      %dma_start3A_475 = tpu.memref_squeeze %dma_start3A_474 : memref<1x320x64xf32, #tpu.memory_space<vmem>> -> memref<320x64xf32, #tpu.memory_space<vmem>>
      %dma_start3A_476 = tpu.memref_slice %arg5[%mul3A_470] : memref<25600xi32, #tpu.memory_space<vmem>> -> memref<320xi32, #tpu.memory_space<vmem>>
      %dma_start3A_477 = arith.constant 0 : i32
      %dma_start3A_478 = arith.constant 0 : i32
      %dma_start3A_479 = tpu.memref_slice %arg2[%dma_start3A_477, %dma_start3A_478] : memref<100000x64xf32, #tpu.memory_space<hbm>> -> memref<100000x64xf32, #tpu.memory_space<hbm>>
      tpu.enqueue_indirect_dma source(%dma_start3A_479 : memref<100000x64xf32, #tpu.memory_space<hbm>>) target(%dma_start3A_475 : memref<320x64xf32, #tpu.memory_space<vmem>>) offsets(%dma_start3A_476 : memref<320xi32, #tpu.memory_space<vmem>>) semaphore(%arg7 : memref<!tpu.dma_semaphore, #tpu.memory_space<semaphore_mem>>)
      %add3A_480 = arith.constant 3 : i32
      %add3A_481 = arith.addi %mul3A_242, %add3A_480 : i32
      %add3A_482 = arith.addi %mul3A_4, %add3A_481 : i32
      %dma_wait3A_483 = arith.constant 3 : i32
      %dma_wait3A_484 = arith.constant 0 : i32
      %dma_wait3A_485 = arith.constant 0 : i32
      %dma_wait3A_486 = tpu.memref_slice %arg6[%dma_wait3A_483, %dma_wait3A_484, %dma_wait3A_485] : memref<4x320x64xf32, #tpu.memory_space<vmem>> -> memref<1x320x64xf32, #tpu.memory_space<vmem>>
      %dma_wait3A_487 = tpu.memref_squeeze %dma_wait3A_486 : memref<1x320x64xf32, #tpu.memory_space<vmem>> -> memref<320x64xf32, #tpu.memory_space<vmem>>
      %dma_wait3A_488 = arith.constant 0 : i32
      %dma_wait3A_489 = arith.constant 0 : i32
      %dma_wait3A_490 = tpu.memref_slice %arg4[%add3A_482, %dma_wait3A_488, %dma_wait3A_489] : memref<2560x320x64xf32, #tpu.memory_space<hbm>> -> memref<1x320x64xf32, #tpu.memory_space<hbm>>
      %dma_wait3A_491 = tpu.memref_squeeze %dma_wait3A_490 : memref<1x320x64xf32, #tpu.memory_space<hbm>> -> memref<320x64xf32, #tpu.memory_space<hbm>>
      %dma_wait3A_492 = arith.constant 0 : i32
      %dma_wait3A_493 = arith.constant 0 : i32
      %dma_wait3A_494 = tpu.memref_slice %arg4[%add3A_482, %dma_wait3A_492, %dma_wait3A_493] : memref<2560x320x64xf32, #tpu.memory_space<hbm>> -> memref<1x320x64xf32, #tpu.memory_space<hbm>>
      %dma_wait3A_495 = tpu.memref_squeeze %dma_wait3A_494 : memref<1x320x64xf32, #tpu.memory_space<hbm>> -> memref<320x64xf32, #tpu.memory_space<hbm>>
      %dma_wait3A_496 = arith.constant 0 : i32
      %dma_wait3A_497 = arith.constant 0 : i32
      %dma_wait3A_498 = tpu.memref_slice %arg6[%dma_wait3A_483, %dma_wait3A_496, %dma_wait3A_497] : memref<4x320x64xf32, #tpu.memory_space<vmem>> -> memref<1x320x64xf32, #tpu.memory_space<vmem>>
      %dma_wait3A_499 = tpu.memref_squeeze %dma_wait3A_498 : memref<1x320x64xf32, #tpu.memory_space<vmem>> -> memref<320x64xf32, #tpu.memory_space<vmem>>
      tpu.wait_dma2 semaphore(%arg8 : memref<!tpu.dma_semaphore, #tpu.memory_space<semaphore_mem>>) src(%dma_wait3A_499 : memref<320x64xf32, #tpu.memory_space<vmem>>) dst(%dma_wait3A_495 : memref<320x64xf32, #tpu.memory_space<hbm>>)
      %add3A_500 = arith.constant 4 : i32
      %add3A_501 = arith.addi %mul3A_242, %add3A_500 : i32
      %add3A_502 = arith.constant 3 : i32
      %add3A_503 = arith.addi %add3A_501, %add3A_502 : i32
      %mul3A_504 = arith.constant 320 : i32
      %mul3A_505 = arith.muli %add3A_503, %mul3A_504 : i32
      %dma_start3A_506 = arith.constant 3 : i32
      %dma_start3A_507 = arith.constant 0 : i32
      %dma_start3A_508 = arith.constant 0 : i32
      %dma_start3A_509 = tpu.memref_slice %arg6[%dma_start3A_506, %dma_start3A_507, %dma_start3A_508] : memref<4x320x64xf32, #tpu.memory_space<vmem>> -> memref<1x320x64xf32, #tpu.memory_space<vmem>>
      %dma_start3A_510 = tpu.memref_squeeze %dma_start3A_509 : memref<1x320x64xf32, #tpu.memory_space<vmem>> -> memref<320x64xf32, #tpu.memory_space<vmem>>
      %dma_start3A_511 = tpu.memref_slice %arg5[%mul3A_505] : memref<25600xi32, #tpu.memory_space<vmem>> -> memref<320xi32, #tpu.memory_space<vmem>>
      %dma_start3A_512 = arith.constant 0 : i32
      %dma_start3A_513 = arith.constant 0 : i32
      %dma_start3A_514 = tpu.memref_slice %arg2[%dma_start3A_512, %dma_start3A_513] : memref<100000x64xf32, #tpu.memory_space<hbm>> -> memref<100000x64xf32, #tpu.memory_space<hbm>>
      tpu.enqueue_indirect_dma source(%dma_start3A_514 : memref<100000x64xf32, #tpu.memory_space<hbm>>) target(%dma_start3A_510 : memref<320x64xf32, #tpu.memory_space<vmem>>) offsets(%dma_start3A_511 : memref<320xi32, #tpu.memory_space<vmem>>) semaphore(%arg7 : memref<!tpu.dma_semaphore, #tpu.memory_space<semaphore_mem>>)
    }
    %scan3A_48 = arith.constant 19 : i32
    %dma_wait3A = arith.constant 0 : i32
    %dma_wait3A_49 = arith.constant 0 : i32
    %dma_wait3A_50 = arith.constant 0 : i32
    %dma_wait3A_51 = tpu.memref_slice %arg6[%dma_wait3A, %dma_wait3A_49, %dma_wait3A_50] : memref<4x320x64xf32, #tpu.memory_space<vmem>> -> memref<1x320x64xf32, #tpu.memory_space<vmem>>
    %dma_wait3A_52 = tpu.memref_squeeze %dma_wait3A_51 : memref<1x320x64xf32, #tpu.memory_space<vmem>> -> memref<320x64xf32, #tpu.memory_space<vmem>>
    %dma_wait3A_53 = arith.constant 24320 : i32
    %dma_wait3A_54 = tpu.memref_slice %arg5[%dma_wait3A_53] : memref<25600xi32, #tpu.memory_space<vmem>> -> memref<320xi32, #tpu.memory_space<vmem>>
    %dma_wait3A_55 = arith.constant 0 : i32
    %dma_wait3A_56 = arith.constant 0 : i32
    %dma_wait3A_57 = tpu.memref_slice %arg2[%dma_wait3A_55, %dma_wait3A_56] : memref<100000x64xf32, #tpu.memory_space<hbm>> -> memref<100000x64xf32, #tpu.memory_space<hbm>>
    tpu.wait_indirect_dma semaphore(%arg7 : memref<!tpu.dma_semaphore, #tpu.memory_space<semaphore_mem>>) src(%dma_wait3A_57 : memref<100000x64xf32, #tpu.memory_space<hbm>>) dst(%dma_wait3A_52 : memref<320x64xf32, #tpu.memory_space<vmem>>)
    %add3A_58 = arith.constant 76 : i32
    %add3A_59 = arith.addi %mul3A_4, %add3A_58 : i32
    %dma_start3A_60 = arith.constant 0 : i32
    %dma_start3A_61 = arith.constant 0 : i32
    %dma_start3A_62 = arith.constant 0 : i32
    %dma_start3A_63 = tpu.memref_slice %arg6[%dma_start3A_60, %dma_start3A_61, %dma_start3A_62] : memref<4x320x64xf32, #tpu.memory_space<vmem>> -> memref<1x320x64xf32, #tpu.memory_space<vmem>>
    %dma_start3A_64 = tpu.memref_squeeze %dma_start3A_63 : memref<1x320x64xf32, #tpu.memory_space<vmem>> -> memref<320x64xf32, #tpu.memory_space<vmem>>
    %dma_start3A_65 = arith.constant 0 : i32
    %dma_start3A_66 = arith.constant 0 : i32
    %dma_start3A_67 = tpu.memref_slice %arg4[%add3A_59, %dma_start3A_65, %dma_start3A_66] : memref<2560x320x64xf32, #tpu.memory_space<hbm>> -> memref<1x320x64xf32, #tpu.memory_space<hbm>>
    %dma_start3A_68 = tpu.memref_squeeze %dma_start3A_67 : memref<1x320x64xf32, #tpu.memory_space<hbm>> -> memref<320x64xf32, #tpu.memory_space<hbm>>
    %dma_start3A_69 = arith.constant 0 : i32
    %dma_start3A_70 = arith.constant 0 : i32
    %dma_start3A_71 = tpu.memref_slice %arg4[%add3A_59, %dma_start3A_69, %dma_start3A_70] : memref<2560x320x64xf32, #tpu.memory_space<hbm>> -> memref<1x320x64xf32, #tpu.memory_space<hbm>>
    %dma_start3A_72 = tpu.memref_squeeze %dma_start3A_71 : memref<1x320x64xf32, #tpu.memory_space<hbm>> -> memref<320x64xf32, #tpu.memory_space<hbm>>
    %dma_start3A_73 = arith.constant 0 : i32
    %dma_start3A_74 = arith.constant 0 : i32
    %dma_start3A_75 = tpu.memref_slice %arg6[%dma_start3A_60, %dma_start3A_73, %dma_start3A_74] : memref<4x320x64xf32, #tpu.memory_space<vmem>> -> memref<1x320x64xf32, #tpu.memory_space<vmem>>
    %dma_start3A_76 = tpu.memref_squeeze %dma_start3A_75 : memref<1x320x64xf32, #tpu.memory_space<vmem>> -> memref<320x64xf32, #tpu.memory_space<vmem>>
    tpu.enqueue_dma source(%dma_start3A_76 : memref<320x64xf32, #tpu.memory_space<vmem>>) target(%dma_start3A_72 : memref<320x64xf32, #tpu.memory_space<hbm>>) target_semaphore(%arg8 : memref<!tpu.dma_semaphore, #tpu.memory_space<semaphore_mem>>)
    %dma_wait3A_77 = arith.constant 1 : i32
    %dma_wait3A_78 = arith.constant 0 : i32
    %dma_wait3A_79 = arith.constant 0 : i32
    %dma_wait3A_80 = tpu.memref_slice %arg6[%dma_wait3A_77, %dma_wait3A_78, %dma_wait3A_79] : memref<4x320x64xf32, #tpu.memory_space<vmem>> -> memref<1x320x64xf32, #tpu.memory_space<vmem>>
    %dma_wait3A_81 = tpu.memref_squeeze %dma_wait3A_80 : memref<1x320x64xf32, #tpu.memory_space<vmem>> -> memref<320x64xf32, #tpu.memory_space<vmem>>
    %dma_wait3A_82 = arith.constant 24640 : i32
    %dma_wait3A_83 = tpu.memref_slice %arg5[%dma_wait3A_82] : memref<25600xi32, #tpu.memory_space<vmem>> -> memref<320xi32, #tpu.memory_space<vmem>>
    %dma_wait3A_84 = arith.constant 0 : i32
    %dma_wait3A_85 = arith.constant 0 : i32
    %dma_wait3A_86 = tpu.memref_slice %arg2[%dma_wait3A_84, %dma_wait3A_85] : memref<100000x64xf32, #tpu.memory_space<hbm>> -> memref<100000x64xf32, #tpu.memory_space<hbm>>
    tpu.wait_indirect_dma semaphore(%arg7 : memref<!tpu.dma_semaphore, #tpu.memory_space<semaphore_mem>>) src(%dma_wait3A_86 : memref<100000x64xf32, #tpu.memory_space<hbm>>) dst(%dma_wait3A_81 : memref<320x64xf32, #tpu.memory_space<vmem>>)
    %add3A_87 = arith.constant 77 : i32
    %add3A_88 = arith.addi %mul3A_4, %add3A_87 : i32
    %dma_start3A_89 = arith.constant 1 : i32
    %dma_start3A_90 = arith.constant 0 : i32
    %dma_start3A_91 = arith.constant 0 : i32
    %dma_start3A_92 = tpu.memref_slice %arg6[%dma_start3A_89, %dma_start3A_90, %dma_start3A_91] : memref<4x320x64xf32, #tpu.memory_space<vmem>> -> memref<1x320x64xf32, #tpu.memory_space<vmem>>
    %dma_start3A_93 = tpu.memref_squeeze %dma_start3A_92 : memref<1x320x64xf32, #tpu.memory_space<vmem>> -> memref<320x64xf32, #tpu.memory_space<vmem>>
    %dma_start3A_94 = arith.constant 0 : i32
    %dma_start3A_95 = arith.constant 0 : i32
    %dma_start3A_96 = tpu.memref_slice %arg4[%add3A_88, %dma_start3A_94, %dma_start3A_95] : memref<2560x320x64xf32, #tpu.memory_space<hbm>> -> memref<1x320x64xf32, #tpu.memory_space<hbm>>
    %dma_start3A_97 = tpu.memref_squeeze %dma_start3A_96 : memref<1x320x64xf32, #tpu.memory_space<hbm>> -> memref<320x64xf32, #tpu.memory_space<hbm>>
    %dma_start3A_98 = arith.constant 0 : i32
    %dma_start3A_99 = arith.constant 0 : i32
    %dma_start3A_100 = tpu.memref_slice %arg4[%add3A_88, %dma_start3A_98, %dma_start3A_99] : memref<2560x320x64xf32, #tpu.memory_space<hbm>> -> memref<1x320x64xf32, #tpu.memory_space<hbm>>
    %dma_start3A_101 = tpu.memref_squeeze %dma_start3A_100 : memref<1x320x64xf32, #tpu.memory_space<hbm>> -> memref<320x64xf32, #tpu.memory_space<hbm>>
    %dma_start3A_102 = arith.constant 0 : i32
    %dma_start3A_103 = arith.constant 0 : i32
    %dma_start3A_104 = tpu.memref_slice %arg6[%dma_start3A_89, %dma_start3A_102, %dma_start3A_103] : memref<4x320x64xf32, #tpu.memory_space<vmem>> -> memref<1x320x64xf32, #tpu.memory_space<vmem>>
    %dma_start3A_105 = tpu.memref_squeeze %dma_start3A_104 : memref<1x320x64xf32, #tpu.memory_space<vmem>> -> memref<320x64xf32, #tpu.memory_space<vmem>>
    tpu.enqueue_dma source(%dma_start3A_105 : memref<320x64xf32, #tpu.memory_space<vmem>>) target(%dma_start3A_101 : memref<320x64xf32, #tpu.memory_space<hbm>>) target_semaphore(%arg8 : memref<!tpu.dma_semaphore, #tpu.memory_space<semaphore_mem>>)
    %dma_wait3A_106 = arith.constant 2 : i32
    %dma_wait3A_107 = arith.constant 0 : i32
    %dma_wait3A_108 = arith.constant 0 : i32
    %dma_wait3A_109 = tpu.memref_slice %arg6[%dma_wait3A_106, %dma_wait3A_107, %dma_wait3A_108] : memref<4x320x64xf32, #tpu.memory_space<vmem>> -> memref<1x320x64xf32, #tpu.memory_space<vmem>>
    %dma_wait3A_110 = tpu.memref_squeeze %dma_wait3A_109 : memref<1x320x64xf32, #tpu.memory_space<vmem>> -> memref<320x64xf32, #tpu.memory_space<vmem>>
    %dma_wait3A_111 = arith.constant 24960 : i32
    %dma_wait3A_112 = tpu.memref_slice %arg5[%dma_wait3A_111] : memref<25600xi32, #tpu.memory_space<vmem>> -> memref<320xi32, #tpu.memory_space<vmem>>
    %dma_wait3A_113 = arith.constant 0 : i32
    %dma_wait3A_114 = arith.constant 0 : i32
    %dma_wait3A_115 = tpu.memref_slice %arg2[%dma_wait3A_113, %dma_wait3A_114] : memref<100000x64xf32, #tpu.memory_space<hbm>> -> memref<100000x64xf32, #tpu.memory_space<hbm>>
    tpu.wait_indirect_dma semaphore(%arg7 : memref<!tpu.dma_semaphore, #tpu.memory_space<semaphore_mem>>) src(%dma_wait3A_115 : memref<100000x64xf32, #tpu.memory_space<hbm>>) dst(%dma_wait3A_110 : memref<320x64xf32, #tpu.memory_space<vmem>>)
    %add3A_116 = arith.constant 78 : i32
    %add3A_117 = arith.addi %mul3A_4, %add3A_116 : i32
    %dma_start3A_118 = arith.constant 2 : i32
    %dma_start3A_119 = arith.constant 0 : i32
    %dma_start3A_120 = arith.constant 0 : i32
    %dma_start3A_121 = tpu.memref_slice %arg6[%dma_start3A_118, %dma_start3A_119, %dma_start3A_120] : memref<4x320x64xf32, #tpu.memory_space<vmem>> -> memref<1x320x64xf32, #tpu.memory_space<vmem>>
    %dma_start3A_122 = tpu.memref_squeeze %dma_start3A_121 : memref<1x320x64xf32, #tpu.memory_space<vmem>> -> memref<320x64xf32, #tpu.memory_space<vmem>>
    %dma_start3A_123 = arith.constant 0 : i32
    %dma_start3A_124 = arith.constant 0 : i32
    %dma_start3A_125 = tpu.memref_slice %arg4[%add3A_117, %dma_start3A_123, %dma_start3A_124] : memref<2560x320x64xf32, #tpu.memory_space<hbm>> -> memref<1x320x64xf32, #tpu.memory_space<hbm>>
    %dma_start3A_126 = tpu.memref_squeeze %dma_start3A_125 : memref<1x320x64xf32, #tpu.memory_space<hbm>> -> memref<320x64xf32, #tpu.memory_space<hbm>>
    %dma_start3A_127 = arith.constant 0 : i32
    %dma_start3A_128 = arith.constant 0 : i32
    %dma_start3A_129 = tpu.memref_slice %arg4[%add3A_117, %dma_start3A_127, %dma_start3A_128] : memref<2560x320x64xf32, #tpu.memory_space<hbm>> -> memref<1x320x64xf32, #tpu.memory_space<hbm>>
    %dma_start3A_130 = tpu.memref_squeeze %dma_start3A_129 : memref<1x320x64xf32, #tpu.memory_space<hbm>> -> memref<320x64xf32, #tpu.memory_space<hbm>>
    %dma_start3A_131 = arith.constant 0 : i32
    %dma_start3A_132 = arith.constant 0 : i32
    %dma_start3A_133 = tpu.memref_slice %arg6[%dma_start3A_118, %dma_start3A_131, %dma_start3A_132] : memref<4x320x64xf32, #tpu.memory_space<vmem>> -> memref<1x320x64xf32, #tpu.memory_space<vmem>>
    %dma_start3A_134 = tpu.memref_squeeze %dma_start3A_133 : memref<1x320x64xf32, #tpu.memory_space<vmem>> -> memref<320x64xf32, #tpu.memory_space<vmem>>
    tpu.enqueue_dma source(%dma_start3A_134 : memref<320x64xf32, #tpu.memory_space<vmem>>) target(%dma_start3A_130 : memref<320x64xf32, #tpu.memory_space<hbm>>) target_semaphore(%arg8 : memref<!tpu.dma_semaphore, #tpu.memory_space<semaphore_mem>>)
    %dma_wait3A_135 = arith.constant 3 : i32
    %dma_wait3A_136 = arith.constant 0 : i32
    %dma_wait3A_137 = arith.constant 0 : i32
    %dma_wait3A_138 = tpu.memref_slice %arg6[%dma_wait3A_135, %dma_wait3A_136, %dma_wait3A_137] : memref<4x320x64xf32, #tpu.memory_space<vmem>> -> memref<1x320x64xf32, #tpu.memory_space<vmem>>
    %dma_wait3A_139 = tpu.memref_squeeze %dma_wait3A_138 : memref<1x320x64xf32, #tpu.memory_space<vmem>> -> memref<320x64xf32, #tpu.memory_space<vmem>>
    %dma_wait3A_140 = arith.constant 25280 : i32
    %dma_wait3A_141 = tpu.memref_slice %arg5[%dma_wait3A_140] : memref<25600xi32, #tpu.memory_space<vmem>> -> memref<320xi32, #tpu.memory_space<vmem>>
    %dma_wait3A_142 = arith.constant 0 : i32
    %dma_wait3A_143 = arith.constant 0 : i32
    %dma_wait3A_144 = tpu.memref_slice %arg2[%dma_wait3A_142, %dma_wait3A_143] : memref<100000x64xf32, #tpu.memory_space<hbm>> -> memref<100000x64xf32, #tpu.memory_space<hbm>>
    tpu.wait_indirect_dma semaphore(%arg7 : memref<!tpu.dma_semaphore, #tpu.memory_space<semaphore_mem>>) src(%dma_wait3A_144 : memref<100000x64xf32, #tpu.memory_space<hbm>>) dst(%dma_wait3A_139 : memref<320x64xf32, #tpu.memory_space<vmem>>)
    %add3A_145 = arith.constant 79 : i32
    %add3A_146 = arith.addi %mul3A_4, %add3A_145 : i32
    %dma_start3A_147 = arith.constant 3 : i32
    %dma_start3A_148 = arith.constant 0 : i32
    %dma_start3A_149 = arith.constant 0 : i32
    %dma_start3A_150 = tpu.memref_slice %arg6[%dma_start3A_147, %dma_start3A_148, %dma_start3A_149] : memref<4x320x64xf32, #tpu.memory_space<vmem>> -> memref<1x320x64xf32, #tpu.memory_space<vmem>>
    %dma_start3A_151 = tpu.memref_squeeze %dma_start3A_150 : memref<1x320x64xf32, #tpu.memory_space<vmem>> -> memref<320x64xf32, #tpu.memory_space<vmem>>
    %dma_start3A_152 = arith.constant 0 : i32
    %dma_start3A_153 = arith.constant 0 : i32
    %dma_start3A_154 = tpu.memref_slice %arg4[%add3A_146, %dma_start3A_152, %dma_start3A_153] : memref<2560x320x64xf32, #tpu.memory_space<hbm>> -> memref<1x320x64xf32, #tpu.memory_space<hbm>>
    %dma_start3A_155 = tpu.memref_squeeze %dma_start3A_154 : memref<1x320x64xf32, #tpu.memory_space<hbm>> -> memref<320x64xf32, #tpu.memory_space<hbm>>
    %dma_start3A_156 = arith.constant 0 : i32
    %dma_start3A_157 = arith.constant 0 : i32
    %dma_start3A_158 = tpu.memref_slice %arg4[%add3A_146, %dma_start3A_156, %dma_start3A_157] : memref<2560x320x64xf32, #tpu.memory_space<hbm>> -> memref<1x320x64xf32, #tpu.memory_space<hbm>>
    %dma_start3A_159 = tpu.memref_squeeze %dma_start3A_158 : memref<1x320x64xf32, #tpu.memory_space<hbm>> -> memref<320x64xf32, #tpu.memory_space<hbm>>
    %dma_start3A_160 = arith.constant 0 : i32
    %dma_start3A_161 = arith.constant 0 : i32
    %dma_start3A_162 = tpu.memref_slice %arg6[%dma_start3A_147, %dma_start3A_160, %dma_start3A_161] : memref<4x320x64xf32, #tpu.memory_space<vmem>> -> memref<1x320x64xf32, #tpu.memory_space<vmem>>
    %dma_start3A_163 = tpu.memref_squeeze %dma_start3A_162 : memref<1x320x64xf32, #tpu.memory_space<vmem>> -> memref<320x64xf32, #tpu.memory_space<vmem>>
    tpu.enqueue_dma source(%dma_start3A_163 : memref<320x64xf32, #tpu.memory_space<vmem>>) target(%dma_start3A_159 : memref<320x64xf32, #tpu.memory_space<hbm>>) target_semaphore(%arg8 : memref<!tpu.dma_semaphore, #tpu.memory_space<semaphore_mem>>)
    %add3A_164 = arith.constant 76 : i32
    %add3A_165 = arith.addi %mul3A_4, %add3A_164 : i32
    %dma_wait3A_166 = arith.constant 0 : i32
    %dma_wait3A_167 = arith.constant 0 : i32
    %dma_wait3A_168 = arith.constant 0 : i32
    %dma_wait3A_169 = tpu.memref_slice %arg6[%dma_wait3A_166, %dma_wait3A_167, %dma_wait3A_168] : memref<4x320x64xf32, #tpu.memory_space<vmem>> -> memref<1x320x64xf32, #tpu.memory_space<vmem>>
    %dma_wait3A_170 = tpu.memref_squeeze %dma_wait3A_169 : memref<1x320x64xf32, #tpu.memory_space<vmem>> -> memref<320x64xf32, #tpu.memory_space<vmem>>
    %dma_wait3A_171 = arith.constant 0 : i32
    %dma_wait3A_172 = arith.constant 0 : i32
    %dma_wait3A_173 = tpu.memref_slice %arg4[%add3A_165, %dma_wait3A_171, %dma_wait3A_172] : memref<2560x320x64xf32, #tpu.memory_space<hbm>> -> memref<1x320x64xf32, #tpu.memory_space<hbm>>
    %dma_wait3A_174 = tpu.memref_squeeze %dma_wait3A_173 : memref<1x320x64xf32, #tpu.memory_space<hbm>> -> memref<320x64xf32, #tpu.memory_space<hbm>>
    %dma_wait3A_175 = arith.constant 0 : i32
    %dma_wait3A_176 = arith.constant 0 : i32
    %dma_wait3A_177 = tpu.memref_slice %arg4[%add3A_165, %dma_wait3A_175, %dma_wait3A_176] : memref<2560x320x64xf32, #tpu.memory_space<hbm>> -> memref<1x320x64xf32, #tpu.memory_space<hbm>>
    %dma_wait3A_178 = tpu.memref_squeeze %dma_wait3A_177 : memref<1x320x64xf32, #tpu.memory_space<hbm>> -> memref<320x64xf32, #tpu.memory_space<hbm>>
    %dma_wait3A_179 = arith.constant 0 : i32
    %dma_wait3A_180 = arith.constant 0 : i32
    %dma_wait3A_181 = tpu.memref_slice %arg6[%dma_wait3A_166, %dma_wait3A_179, %dma_wait3A_180] : memref<4x320x64xf32, #tpu.memory_space<vmem>> -> memref<1x320x64xf32, #tpu.memory_space<vmem>>
    %dma_wait3A_182 = tpu.memref_squeeze %dma_wait3A_181 : memref<1x320x64xf32, #tpu.memory_space<vmem>> -> memref<320x64xf32, #tpu.memory_space<vmem>>
    tpu.wait_dma2 semaphore(%arg8 : memref<!tpu.dma_semaphore, #tpu.memory_space<semaphore_mem>>) src(%dma_wait3A_182 : memref<320x64xf32, #tpu.memory_space<vmem>>) dst(%dma_wait3A_178 : memref<320x64xf32, #tpu.memory_space<hbm>>)
    %add3A_183 = arith.constant 77 : i32
    %add3A_184 = arith.addi %mul3A_4, %add3A_183 : i32
    %dma_wait3A_185 = arith.constant 1 : i32
    %dma_wait3A_186 = arith.constant 0 : i32
    %dma_wait3A_187 = arith.constant 0 : i32
    %dma_wait3A_188 = tpu.memref_slice %arg6[%dma_wait3A_185, %dma_wait3A_186, %dma_wait3A_187] : memref<4x320x64xf32, #tpu.memory_space<vmem>> -> memref<1x320x64xf32, #tpu.memory_space<vmem>>
    %dma_wait3A_189 = tpu.memref_squeeze %dma_wait3A_188 : memref<1x320x64xf32, #tpu.memory_space<vmem>> -> memref<320x64xf32, #tpu.memory_space<vmem>>
    %dma_wait3A_190 = arith.constant 0 : i32
    %dma_wait3A_191 = arith.constant 0 : i32
    %dma_wait3A_192 = tpu.memref_slice %arg4[%add3A_184, %dma_wait3A_190, %dma_wait3A_191] : memref<2560x320x64xf32, #tpu.memory_space<hbm>> -> memref<1x320x64xf32, #tpu.memory_space<hbm>>
    %dma_wait3A_193 = tpu.memref_squeeze %dma_wait3A_192 : memref<1x320x64xf32, #tpu.memory_space<hbm>> -> memref<320x64xf32, #tpu.memory_space<hbm>>
    %dma_wait3A_194 = arith.constant 0 : i32
    %dma_wait3A_195 = arith.constant 0 : i32
    %dma_wait3A_196 = tpu.memref_slice %arg4[%add3A_184, %dma_wait3A_194, %dma_wait3A_195] : memref<2560x320x64xf32, #tpu.memory_space<hbm>> -> memref<1x320x64xf32, #tpu.memory_space<hbm>>
    %dma_wait3A_197 = tpu.memref_squeeze %dma_wait3A_196 : memref<1x320x64xf32, #tpu.memory_space<hbm>> -> memref<320x64xf32, #tpu.memory_space<hbm>>
    %dma_wait3A_198 = arith.constant 0 : i32
    %dma_wait3A_199 = arith.constant 0 : i32
    %dma_wait3A_200 = tpu.memref_slice %arg6[%dma_wait3A_185, %dma_wait3A_198, %dma_wait3A_199] : memref<4x320x64xf32, #tpu.memory_space<vmem>> -> memref<1x320x64xf32, #tpu.memory_space<vmem>>
    %dma_wait3A_201 = tpu.memref_squeeze %dma_wait3A_200 : memref<1x320x64xf32, #tpu.memory_space<vmem>> -> memref<320x64xf32, #tpu.memory_space<vmem>>
    tpu.wait_dma2 semaphore(%arg8 : memref<!tpu.dma_semaphore, #tpu.memory_space<semaphore_mem>>) src(%dma_wait3A_201 : memref<320x64xf32, #tpu.memory_space<vmem>>) dst(%dma_wait3A_197 : memref<320x64xf32, #tpu.memory_space<hbm>>)
    %add3A_202 = arith.constant 78 : i32
    %add3A_203 = arith.addi %mul3A_4, %add3A_202 : i32
    %dma_wait3A_204 = arith.constant 2 : i32
    %dma_wait3A_205 = arith.constant 0 : i32
    %dma_wait3A_206 = arith.constant 0 : i32
    %dma_wait3A_207 = tpu.memref_slice %arg6[%dma_wait3A_204, %dma_wait3A_205, %dma_wait3A_206] : memref<4x320x64xf32, #tpu.memory_space<vmem>> -> memref<1x320x64xf32, #tpu.memory_space<vmem>>
    %dma_wait3A_208 = tpu.memref_squeeze %dma_wait3A_207 : memref<1x320x64xf32, #tpu.memory_space<vmem>> -> memref<320x64xf32, #tpu.memory_space<vmem>>
    %dma_wait3A_209 = arith.constant 0 : i32
    %dma_wait3A_210 = arith.constant 0 : i32
    %dma_wait3A_211 = tpu.memref_slice %arg4[%add3A_203, %dma_wait3A_209, %dma_wait3A_210] : memref<2560x320x64xf32, #tpu.memory_space<hbm>> -> memref<1x320x64xf32, #tpu.memory_space<hbm>>
    %dma_wait3A_212 = tpu.memref_squeeze %dma_wait3A_211 : memref<1x320x64xf32, #tpu.memory_space<hbm>> -> memref<320x64xf32, #tpu.memory_space<hbm>>
    %dma_wait3A_213 = arith.constant 0 : i32
    %dma_wait3A_214 = arith.constant 0 : i32
    %dma_wait3A_215 = tpu.memref_slice %arg4[%add3A_203, %dma_wait3A_213, %dma_wait3A_214] : memref<2560x320x64xf32, #tpu.memory_space<hbm>> -> memref<1x320x64xf32, #tpu.memory_space<hbm>>
    %dma_wait3A_216 = tpu.memref_squeeze %dma_wait3A_215 : memref<1x320x64xf32, #tpu.memory_space<hbm>> -> memref<320x64xf32, #tpu.memory_space<hbm>>
    %dma_wait3A_217 = arith.constant 0 : i32
    %dma_wait3A_218 = arith.constant 0 : i32
    %dma_wait3A_219 = tpu.memref_slice %arg6[%dma_wait3A_204, %dma_wait3A_217, %dma_wait3A_218] : memref<4x320x64xf32, #tpu.memory_space<vmem>> -> memref<1x320x64xf32, #tpu.memory_space<vmem>>
    %dma_wait3A_220 = tpu.memref_squeeze %dma_wait3A_219 : memref<1x320x64xf32, #tpu.memory_space<vmem>> -> memref<320x64xf32, #tpu.memory_space<vmem>>
    tpu.wait_dma2 semaphore(%arg8 : memref<!tpu.dma_semaphore, #tpu.memory_space<semaphore_mem>>) src(%dma_wait3A_220 : memref<320x64xf32, #tpu.memory_space<vmem>>) dst(%dma_wait3A_216 : memref<320x64xf32, #tpu.memory_space<hbm>>)
    %add3A_221 = arith.constant 79 : i32
    %add3A_222 = arith.addi %mul3A_4, %add3A_221 : i32
    %dma_wait3A_223 = arith.constant 3 : i32
    %dma_wait3A_224 = arith.constant 0 : i32
    %dma_wait3A_225 = arith.constant 0 : i32
    %dma_wait3A_226 = tpu.memref_slice %arg6[%dma_wait3A_223, %dma_wait3A_224, %dma_wait3A_225] : memref<4x320x64xf32, #tpu.memory_space<vmem>> -> memref<1x320x64xf32, #tpu.memory_space<vmem>>
    %dma_wait3A_227 = tpu.memref_squeeze %dma_wait3A_226 : memref<1x320x64xf32, #tpu.memory_space<vmem>> -> memref<320x64xf32, #tpu.memory_space<vmem>>
    %dma_wait3A_228 = arith.constant 0 : i32
    %dma_wait3A_229 = arith.constant 0 : i32
    %dma_wait3A_230 = tpu.memref_slice %arg4[%add3A_222, %dma_wait3A_228, %dma_wait3A_229] : memref<2560x320x64xf32, #tpu.memory_space<hbm>> -> memref<1x320x64xf32, #tpu.memory_space<hbm>>
    %dma_wait3A_231 = tpu.memref_squeeze %dma_wait3A_230 : memref<1x320x64xf32, #tpu.memory_space<hbm>> -> memref<320x64xf32, #tpu.memory_space<hbm>>
    %dma_wait3A_232 = arith.constant 0 : i32
    %dma_wait3A_233 = arith.constant 0 : i32
    %dma_wait3A_234 = tpu.memref_slice %arg4[%add3A_222, %dma_wait3A_232, %dma_wait3A_233] : memref<2560x320x64xf32, #tpu.memory_space<hbm>> -> memref<1x320x64xf32, #tpu.memory_space<hbm>>
    %dma_wait3A_235 = tpu.memref_squeeze %dma_wait3A_234 : memref<1x320x64xf32, #tpu.memory_space<hbm>> -> memref<320x64xf32, #tpu.memory_space<hbm>>
    %dma_wait3A_236 = arith.constant 0 : i32
    %dma_wait3A_237 = arith.constant 0 : i32
    %dma_wait3A_238 = tpu.memref_slice %arg6[%dma_wait3A_223, %dma_wait3A_236, %dma_wait3A_237] : memref<4x320x64xf32, #tpu.memory_space<vmem>> -> memref<1x320x64xf32, #tpu.memory_space<vmem>>
    %dma_wait3A_239 = tpu.memref_squeeze %dma_wait3A_238 : memref<1x320x64xf32, #tpu.memory_space<vmem>> -> memref<320x64xf32, #tpu.memory_space<vmem>>
    tpu.wait_dma2 semaphore(%arg8 : memref<!tpu.dma_semaphore, #tpu.memory_space<semaphore_mem>>) src(%dma_wait3A_239 : memref<320x64xf32, #tpu.memory_space<vmem>>) dst(%dma_wait3A_235 : memref<320x64xf32, #tpu.memory_space<hbm>>)
    return
  }
}

</mosaic_0001>

<sc_bundles>
// kernel: kernel.3.cloned.1.call-start
scs
__scs_entry_jumppad:
0x0: {  	(pc) =	sbr.rel $0x88, $3  }
0x1: {  	(tag) =	ssettag $0x0;
	lr =	simm.s32 $0x1  }
0x2: {  	[smem:$0x3F9F] =	sst lr;
	_ =	strace $0xD0000000  }
0x3: {  	_ = 	snop  }
0x4: {  	_ = 	snop  }
0x5: {  	_ = 	snop  }
0x6: {  	_ = 	snop  }
0x7: {  	_ = 	snop  }
__scs_overlays_trampoline_lowered:
0x8: {  	[smem:$0x3FAE] =	sst s0  }
0x9: {  	[smem:$0x3FAF] =	sst s1  }
0xa: {  	[smem:$0x3FB0] =	sst s2  }
0xb: {  	[smem:$0x3FB1] =	sst s3  }
0xc: {  	[smem:$0x3FB2] =	sst s4  }
0xd: {  	[smem:$0x3FB3] =	sst s5  }
0xe: {  	[smem:$0x3FB4] =	sst s6  }
0xf: {  	[smem:$0x3FB5] =	sst s7  }
0x10: {  	[smem:$0x3FB6] =	sst s8  }
0x11: {  	[smem:$0x3FB7] =	sst s9;
	s0 =	simm.s32 @!p0 $0x0  }
0x12: {  	s1 =	sld [smem:$0x3F9D];
	s0 =	simm.s32 @p0 $0x1  }
0x13: {  	[smem:$0x3FB8] =	sst s0;
	s0 =	simm.s32 @!p1 $0x0  }
0x14: {  	s2 =	sld [smem:$0x3F9C];
	s0 =	simm.s32 @p1 $0x1  }
0x15: {  	[smem:$0x3FB9] =	sst s0;
	s0 =	simm.s32 @!p2 $0x0  }
0x16: {  	s3 =	sld [smem:$0x3FDB];
	s0 =	simm.s32 @p2 $0x1  }
0x17: {  	s4 =	simm.s32 $0x1BF5;
	[smem:$0x3FBB] =	sst s0  }
0x18: {  	s0 =	sld [smem:$0x3F9E];
	_ =	swait.ge [sflag:s4], $0x0  }
0x19: {  	s7 =	sld [smem:$0x3F9F]  }
0x1a: {  	s8 =	sadd.s32 $0xFFFFE003, lr  }
0x1b: {  	s9 =	sadd.s32 $0xFFFFFEF7, lr;
	s5 =	simm.s32 $0xFFFFFFFF;
	p2 =	slt.u32 s8, $0xFFFFF086  }
0x1c: {  	p1 =	slt.u32 s9, $0xF7A;
	s5 =	simm.s32 @!p2 $0x0  }
0x1d: {  	s5 =	simm.s32 @p1 $0x1;
	p0 =	seq.s32 s7, s2  }
0x1e: {  	s7 =	smul.u32 @!p0 $0xF7A, s2;
	p2 =	seq.s32 @!p0 s5, $0x0  }
0x1f: {  	s9 =	smul.u32 $0xF7A, s1;
	s8 =	simm.s32 @!p0 $0x1BF5;
	p2 =	por !p2, p0  }
0x20: {  	[sflag:s8] =	ssyncset.s32 @!p0 $0xFFFFF086;
	s6 =	sadd.s32 @!p0 s3, s7;
	s7 =	simm.s32 @!p0 $0x108  }
0x21: {  	s3 =	sadd.s32 s3, s9;
	s6 =	sadd.s32 @!p0 $0x88, s6;
	s7 =	simm.s32 @p2 $0x1082  }
0x22: {  	[simem:s7], [sflag:s8] =	dma.local @!p0 [hbm:s6], $0xF7A  }
0x23: {  	s9 =	sor.u32 $0xD0000000, s2;
	s6 =	simm.s32 $0x108;
	_ =	swait.ge @!p0 [sflag:s8], $0x0  }
0x24: {  	s3 =	sadd.s32 $0x88, s3;
	s6 =	simm.s32 @!p1 $0x1082;
	[sflag:s4] =	ssyncset.s32 $0xFFFFF086  }
0x25: {  	[simem:s6], [sflag:s4] =	dma.local [hbm:s3], $0xF7A  }
0x26: {  	[smem:$0x3F9F] =	sst s1;
	(tag) =	ssettag s2;
	_ =	strace s9  }
0x27: {  	s1 =	sld [smem:$0x3FAF]  }
0x28: {  	s2 =	sld [smem:$0x3FB0]  }
0x29: {  	s4 =	sld [smem:$0x3FB2]  }
0x2a: {  	p0 =	seq.s32 s5, $0x0;
	s5 =	sld [smem:$0x3FB3]  }
0x2b: {  	s6 =	sld [smem:$0x3FB4]  }
0x2c: {  	s7 =	sld [smem:$0x3FB5]  }
0x2d: {  	s3 =	simm.s32 $0x108;
	s8 =	sld [smem:$0x3FB6]  }
0x2e: {  	s3 =	simm.s32 @!p0 $0x1082;
	s9 =	sld [smem:$0x3FB7]  }
0x2f: {  	lr =	sadd.s32 s0, s3;
	s0 =	sld [smem:$0x3FAE]  }
0x30: {  	s3 =	sld [smem:$0x3FB1]  }
0x31: {  	[smem:$0x3FBA] =	sst s10  }
0x32: {  	s10 =	sld [smem:$0x3FB8];
	_ =	sdelay $0x3  }
0x33: {  	p0 =	seq.s32 s10, $0x1;
	s10 =	sld [smem:$0x3FBA];
	_ =	sdelay $0x3  }
0x34: {  	[smem:$0x3FBA] =	sst s10  }
0x35: {  	s10 =	sld [smem:$0x3FB9];
	_ =	sdelay $0x3  }
0x36: {  	p1 =	seq.s32 s10, $0x1;
	s10 =	sld [smem:$0x3FBA];
	_ =	sdelay $0x3  }
0x37: {  	[smem:$0x3FBA] =	sst s10  }
0x38: {  	s10 =	sld [smem:$0x3FBB]  }
0x39: {  	_ = 	snop;
	(pc) =	sbr.ind lr, $3  }
0x3a: {  	_ = 	snop  }
0x3b: {  	_ = 	snop  }
0x3c: {  	p2 =	seq.s32 s10, $0x1;
	s10 =	sld [smem:$0x3FBA]  }
0x3d: {  	_ =	shalt  }
0x3e: {  	_ =	shalt  }
0x3f: {  	_ =	shalt  }
0x40: {  	_ =	shalt  }
0x41: {  	_ =	shalt  }
0x42: {  	_ =	shalt  }
0x43: {  	_ =	shalt  }
0x44: {  	_ =	shalt  }
0x45: {  	_ =	shalt  }
0x46: {  	_ =	shalt  }
0x47: {  	_ =	shalt  }
0x48: {  	_ =	shalt  }
0x49: {  	_ =	shalt  }
0x4a: {  	_ =	shalt  }
0x4b: {  	_ =	shalt  }
0x4c: {  	_ =	shalt  }
0x4d: {  	_ =	shalt  }
0x4e: {  	_ =	shalt  }
0x4f: {  	_ =	shalt  }
0x50: {  	_ =	shalt  }
0x51: {  	_ =	shalt  }
0x52: {  	_ =	shalt  }
0x53: {  	_ =	shalt  }
0x54: {  	_ =	shalt  }
0x55: {  	_ =	shalt  }
0x56: {  	_ =	shalt  }
0x57: {  	_ =	shalt  }
0x58: {  	_ =	shalt  }
0x59: {  	_ =	shalt  }
0x5a: {  	_ =	shalt  }
0x5b: {  	_ =	shalt  }
0x5c: {  	_ =	shalt  }
0x5d: {  	_ =	shalt  }
0x5e: {  	_ =	shalt  }
0x5f: {  	_ =	shalt  }
0x60: {  	_ =	shalt  }
0x61: {  	_ =	shalt  }
0x62: {  	_ =	shalt  }
0x63: {  	_ =	shalt  }
0x64: {  	_ =	shalt  }
0x65: {  	_ =	shalt  }
0x66: {  	_ =	shalt  }
0x67: {  	_ =	shalt  }
0x68: {  	_ =	shalt  }
0x69: {  	_ =	shalt  }
0x6a: {  	_ =	shalt  }
0x6b: {  	_ =	shalt  }
0x6c: {  	_ =	shalt  }
0x6d: {  	_ =	shalt  }
0x6e: {  	_ =	shalt  }
0x6f: {  	_ =	shalt  }
0x70: {  	_ =	shalt  }
0x71: {  	_ =	shalt  }
0x72: {  	_ =	shalt  }
0x73: {  	_ =	shalt  }
0x74: {  	_ =	shalt  }
0x75: {  	_ =	shalt  }
0x76: {  	_ =	shalt  }
0x77: {  	_ =	shalt  }
0x78: {  	_ =	shalt  }
0x79: {  	_ =	shalt  }
0x7a: {  	_ =	shalt  }
0x7b: {  	_ =	shalt  }
0x7c: {  	_ =	shalt  }
0x7d: {  	_ =	shalt  }
0x7e: {  	_ =	shalt  }
0x7f: {  	_ =	shalt  }
0x80: {  	_ =	shalt  }
0x81: {  	_ =	shalt  }
0x82: {  	_ =	shalt  }
0x83: {  	_ =	shalt  }
0x84: {  	_ =	shalt  }
0x85: {  	_ =	shalt  }
0x86: {  	_ =	shalt  }
0x87: {  	_ =	shalt  }
.Lfunc_end0:
.L_simem_size_0:
called_computation.1_lowered:
.L_overlay_start_0:
0x88: {  	s2 =	sld [smem:$0x3FD9]  }
0x89: {  	s3 =	sld [smem:$0x3FFE];
	_ =	sdelay $0x1  }
0x8a: {  	s1 =	srdreg.scid  }
0x8b: {  	s0 =	sand.u32 $0x1, s1  }
0x8c: {  	s17 =	sshll.u32 s0, $0xA;
	s2 =	sadd.s32 s3, s2  }
0x8d: {  	s2 =	sadd.s32 s2, s17  }
0x8e: {  	[smem:$0x3FC6] =	sst s2  }
0x8f: {  	_ = 	snop  }
0x90: {  	s2 =	sld [smem:$0x3FD0];
	(tm) =	ssettm $0x1  }
0x91: {  	s18 =	sld [smem:$0x3FFB];
	_ =	sdelay $0x3  }
0x92: {  	_ =	strace s18  }
0x93: {  	s3 =	sld [smem:$0x3FFC];
	_ =	sdelay $0x3  }
0x94: {  	_ =	strace s3  }
0x95: {  	s3 =	sld [smem:$0x3FFD];
	_ =	sdelay $0x3  }
0x96: {  	_ =	strace s3  }
0x97: {  	_ =	strace $0x8FFFFFFF  }
0x98: {  	s19 =	sld [smem:$0x3FDB];
	_ =	sdelay $0x1  }
0x99: {  	s4 =	simm.s32 $_scs_section_size  }
0x9a: {  	s5 =	simm.s32 $_size__tile_overlayer_lowered;
	s6 =	simm.s32 $_tile_overlayer_lowered  }
0x9b: {  	s22 =	simm.s32 $0x1BFF;
	s21 =	sshll.u32 s6, $0x1;
	s3 =	sadd.s32 s4, s19  }
0x9c: {  	s7 =	simm.s32 $0x0;
	s20 =	sshll.u32 s5, $0x1;
	s5 =	sadd.s32 s21, s3  }
0x9d: {  	[timem:s7], [sflag:s22] =	dma.local [hbm:s5], s20  }
0x9e: {  	_ =	swait.ge [sflag:s22], s20  }
0x9f: {  	s4 =	ssub.s32 $0x0, s20;
	[sflag:s22] =	ssyncset.done $0x0  }
0xa0: {  	[sflag:s22] =	ssyncadd.s32 s4;
	_ =	sdelay $0x1  }
0xa1: {  	s23 =	simm.s32 $0x1B8B  }
0xa2: {  	_ =	swait.ge [sflag:s23], $0x1  }
0xa3: {  	[sflag:s23] =	ssyncset.done $0x0  }
0xa4: {  	s25 =	simm.s32 $0x1B8E;
	s24 =	sld [smem:$0x3FFE];
	[sflag:s23] =	ssyncadd.s32 $0xFFFFFFFF  }
0xa5: {  	s26 =	simm.s32 $execute0_lowered;
	[smem:$0x3FD2] =	sst s25  }
0xa6: {  	s5 =	sshll.u32 s26, $0x1;
	_ =	strace $0x80000046;
	[dreg:$0x1] =	wrdreg $0xFFFFFFFF  }
0xa7: {  	s28 =	simm.s32 $_size_execute0_lowered;
	s3 =	sadd.s32 s3, s5;
	[dreg:$0x0] =	wrdreg $0x0  }
0xa8: {  	s5 =	sshll.u32 s28, $0x1;
	[dreg:$0x2] =	wrdreg s3  }
0xa9: {  	[dreg:$0x3] =	wrdreg s5  }
0xaa: {  	[dreg:$0x4] =	wrdreg $0xC0  }
0xab: {  	_ =	task [dreg:s7], $0x5FFFF  }
0xac: {  	[dreg:$0x1] =	wrdreg $0xFFFFFFFF  }
0xad: {  	[dreg:$0x0] =	wrdreg $0x60  }
0xae: {  	[dreg:$0x2] =	wrdreg s24  }
0xaf: {  	[dreg:$0x3] =	wrdreg s2  }
0xb0: {  	[dreg:$0x4] =	wrdreg $0x9  }
0xb1: {  	_ =	task.clear_ibuf [dreg:s7], $0x5FFFF;
	_ =	strace $0x90000046  }
0xb2: {  	s29 =	simm.s32 $0x9;
	_ =	strace $0x80000048  }
0xb3: {  	_ =	swait.ge [sflag:s29], $0x1  }
0xb4: {  	[sflag:s29] =	ssyncadd.s32 $0xFFFFFFFF  }
0xb5: {  	_ =	strace $0x90000048  }
0xb6: {  	_ =	sfence  }
0xb7: {  	s30 =	sld [smem:$0x0];
	_ =	sdelay $0x2  }
0xb8: {  	s31 =	sshll.u32 s1, $0xD;
	s1 =	sshrl.u32 s1, $0x2  }
0xb9: {  	s3 =	sand.u32 $0x4000, s31;
	s1 =	sadd.s32 s1, s30  }
0xba: {  	s0 =	sor.u32 s3, s0;
	s1 =	sshll.u32 s1, $0x11  }
0xbb: {  	s0 =	sor.u32 s1, s0  }
0xbc: {  	s0 =	sadd.s32 $0x8F2B, s0  }
0xbd: {  	[sflag:s0] =	ssyncadd.remote.s32 $0x1  }
0xbe: {  	_ =	sfence.sel $0xFFFF  }
0xbf: {  	[dreg:$0x0] =	wrdreg $0xFFFFFFFF;
	(pc) =	sbr.abs _section_cstart, $3  }
0xc0: {  	[dreg:$0x1] =	wrdreg $0xFFFFFFFF  }
0xc1: {  	_ =	task.clear_ibuf [dreg:s7], $0x2FFFF;
	_ =	strace $0x9FFFFFFF  }
0xc2: {  	(tm) =	ssettm $0x7FFFFFFF  }
0xc3: {  	_ =	shalt  }
tec
execute0_lowered:
.L_overlay_start_1:
0x0: {  	(tag) =	ssettag $0x1  }
0x1: {  	s1 =	srdreg.scid  }
0x2: {  	s0 =	stileid.u32;
	s4 =	rddreg [dreg:$0x0]  }
0x3: {  	s8 =	rddreg [dreg:$0x1];
	s2 =	simm.s32 $0x0;
	s13 =	simm.s32 $0x6400  }
0x4: {  	s14 =	simm.s32 $0xB400;
	s15 =	simm.s32 $0x280;
	s16 =	simm.s32 $0x10400  }
0x5: {  	s17 =	simm.s32 $0x3C0;
	s18 =	simm.s32 $0x15400;
	s19 =	simm.s32 $0x1  }
0x6: {  	s20 =	simm.s32 $0x2;
	s21 =	simm.s32 $0x0;
	s6 =	sand.u32 $0x1, s1  }
0x7: {  	s29 =	sshll.u32 s0, $0x1;
	s1 =	rddreg [dreg:$0x2];
	s11 =	smul.u32 $0x64000, s0  }
0x8: {  	[smem:$0x7FF] =	sst s2;
	s3 =	sor.u32 s6, s29;
	s12 =	smul.u32 $0x32000, s6  }
0x9: {  	_ =	strace $0x80000047;
	s9 =	ssub.s32 $0x2, s6;
	s5 =	smul.u32 $0xC80, s3  }
0xa: {  	s7 =	smul.u32 $0x190000, s3;
	s30 =	sshrl.u32 s9, $0x1;
	s11 =	sadd.s32 s11, s8  }
0xb: {  	s3 =	sadd.s32 $0x19800, s4;
	s9 =	ssub.s32 s9, s30;
	s31 =	sadd.s32 s12, s11  }
0xc: {  	s11 =	simm.s32 $0x3;
	s12 =	simm.s32 $0x140;
	s7 =	sshrl.u32 s7, $0x3  }
0xd: {  	s4 =	sadd.s32 s5, s4;
	s9 =	smax.u32 s9, $0x1;
	s10 =	sadd.s32 s8, s7  }
0xe: {  	s4 =	sadd.s32 $0x800, s4;
	s5 =	sadd.s32 $0x2F800, s10;
	s6 =	sadd.s32 $0x30200, s10  }
0xf: {  	s7 =	sadd.s32 $0x30C00, s10;
	s8 =	sadd.s32 $0x31600, s10;
	s10 =	sadd.s32 $0x1E00, s31  }
.LBB2_1:
0x10: {  	[tilespmem:s2], [sflag:$0x3] =	stream.linear.gather [hbm4b:s4+s2], $0x6400, $0x38;
	[tilespmem:$0x1A400] =	vst v63  }
0x11: {  	_ =	swait.ge [sflag:s11], $0x6400  }
0x12: {  	[sflag:s11] =	ssyncset.done $0x0  }
0x13: {  	[sflag:s11] =	ssyncadd.s32 $0xFFFF9C00  }
0x14: {  	[tilespmem:s13], [sflag:$0x1] =	stream.indirect.gather [hbm4b:s3+s12], $0x40, s2, s12, $0xb8;
	[tilespmem:$0x1A400] =	vst v63  }
0x15: {  	_ = 	snop  }
0x16: {  	[tilespmem:s14], [sflag:$0x1] =	stream.indirect.gather [hbm4b:s3+s12], $0x40, s12, s12, $0xb8;
	[tilespmem:$0x1A400] =	vst v63  }
0x17: {  	_ = 	snop  }
0x18: {  	[tilespmem:s16], [sflag:$0x1] =	stream.indirect.gather [hbm4b:s3+s12], $0x40, s15, s12, $0xb8;
	[tilespmem:$0x1A400] =	vst v63  }
0x19: {  	_ = 	snop  }
0x1a: {  	[tilespmem:s18], [sflag:$0x1] =	stream.indirect.gather [hbm4b:s3+s12], $0x40, s17, s12, $0xb8;
	[tilespmem:$0x1A400] =	vst v63  }
0x1b: {  	_ =	swait.ge [sflag:s19], $0x5000  }
0x1c: {  	[sflag:s19] =	ssyncset.done $0x0  }
0x1d: {  	s22 =	sadd.s32 $0xFFFFE200, s10;
	[sflag:s19] =	ssyncadd.s32 $0xFFFFB000  }
0x1e: {  	[hbm4b:s22+s2] =	stream.linear.scatter [tilespmem:s13], [sflag:$0x2], $0x5000, $0x38;
	[tilespmem:$0x1A400] =	vst v63  }
0x1f: {  	_ =	swait.ge [sflag:s19], $0x5000  }
0x20: {  	[sflag:s19] =	ssyncset.done $0x0  }
0x21: {  	s26 =	sadd.s32 $0xFFFFEC00, s10;
	[sflag:s19] =	ssyncadd.s32 $0xFFFFB000  }
0x22: {  	[hbm4b:s26+s2] =	stream.linear.scatter [tilespmem:s14], [sflag:$0x2], $0x5000, $0x38;
	[tilespmem:$0x1A400] =	vst v63  }
0x23: {  	_ =	swait.ge [sflag:s19], $0x5000  }
0x24: {  	[sflag:s19] =	ssyncset.done $0x0  }
0x25: {  	s28 =	sadd.s32 $0xFFFFF600, s10;
	[sflag:s19] =	ssyncadd.s32 $0xFFFFB000  }
0x26: {  	[hbm4b:s28+s2] =	stream.linear.scatter [tilespmem:s16], [sflag:$0x2], $0x5000, $0x38;
	[tilespmem:$0x1A400] =	vst v63  }
0x27: {  	_ =	swait.ge [sflag:s19], $0x5000  }
0x28: {  	[sflag:s19] =	ssyncset.done $0x0  }
0x29: {  	[sflag:s19] =	ssyncadd.s32 $0xFFFFB000  }
0x2a: {  	[hbm4b:s10+s2] =	stream.linear.scatter [tilespmem:s18], [sflag:$0x2], $0x5000, $0x38;
	[tilespmem:$0x1A400] =	vst v63  }
0x2b: {  	_ =	swait.ge [sflag:s20], $0x5000  }
0x2c: {  	[sflag:s20] =	ssyncset.done $0x0  }
0x2d: {  	s29 =	simm.s32 $0x500;
	[sflag:s20] =	ssyncadd.s32 $0xFFFFB000  }
0x2e: {  	[tilespmem:s13], [sflag:$0x1] =	stream.indirect.gather [hbm4b:s3+s12], $0x40, s29, s12, $0xb8;
	[tilespmem:$0x1A400] =	vst v63  }
0x2f: {  	_ =	swait.ge [sflag:s20], $0x5000  }
0x30: {  	[sflag:s20] =	ssyncset.done $0x0  }
0x31: {  	s30 =	simm.s32 $0x640;
	[sflag:s20] =	ssyncadd.s32 $0xFFFFB000  }
0x32: {  	[tilespmem:s14], [sflag:$0x1] =	stream.indirect.gather [hbm4b:s3+s12], $0x40, s30, s12, $0xb8;
	[tilespmem:$0x1A400] =	vst v63  }
0x33: {  	_ =	swait.ge [sflag:s20], $0x5000  }
0x34: {  	[sflag:s20] =	ssyncset.done $0x0  }
0x35: {  	s31 =	simm.s32 $0x780;
	[sflag:s20] =	ssyncadd.s32 $0xFFFFB000  }
0x36: {  	[tilespmem:s16], [sflag:$0x1] =	stream.indirect.gather [hbm4b:s3+s12], $0x40, s31, s12, $0xb8;
	[tilespmem:$0x1A400] =	vst v63  }
0x37: {  	_ =	swait.ge [sflag:s20], $0x5000  }
0x38: {  	s24 =	simm.s32 $0x8C0;
	[sflag:s20] =	ssyncset.done $0x0  }
0x39: {  	s23 =	sadd.s32 $0x2800, s10;
	s22 =	simm.s32 $0x1400;
	[sflag:s20] =	ssyncadd.s32 $0xFFFFB000  }
.LBB2_2:
0x3a: {  	[tilespmem:s18], [sflag:$0x1] =	stream.indirect.gather [hbm4b:s3+s12], $0x40, s24, s12, $0xb8;
	[tilespmem:$0x1A400] =	vst v63  }
0x3b: {  	s24 =	smov.u32 s22  }
0x3c: {  	p0 =	sne.s32 s22, $0x16800;
	s22 =	sadd.s32 $0x1400, s22;
	_ =	swait.ge [sflag:s19], $0x5000  }
0x3d: {  	[sflag:s19] =	ssyncset.done $0x0  }
0x3e: {  	s25 =	sadd.s32 $0xFFFFE200, s23;
	[sflag:s19] =	ssyncadd.s32 $0xFFFFB000  }
0x3f: {  	[hbm4b:s25+s2] =	stream.linear.scatter [tilespmem:s13], [sflag:$0x2], $0x5000, $0x38;
	[tilespmem:$0x1A400] =	vst v63  }
0x40: {  	_ =	swait.ge [sflag:s19], $0x5000  }
0x41: {  	[sflag:s19] =	ssyncset.done $0x0  }
0x42: {  	s25 =	sadd.s32 $0xFFFFEC00, s23;
	[sflag:s19] =	ssyncadd.s32 $0xFFFFB000  }
0x43: {  	[hbm4b:s25+s2] =	stream.linear.scatter [tilespmem:s14], [sflag:$0x2], $0x5000, $0x38;
	[tilespmem:$0x1A400] =	vst v63  }
0x44: {  	_ =	swait.ge [sflag:s19], $0x5000  }
0x45: {  	[sflag:s19] =	ssyncset.done $0x0  }
0x46: {  	s25 =	sadd.s32 $0xFFFFF600, s23;
	[sflag:s19] =	ssyncadd.s32 $0xFFFFB000  }
0x47: {  	[hbm4b:s25+s2] =	stream.linear.scatter [tilespmem:s16], [sflag:$0x2], $0x5000, $0x38;
	[tilespmem:$0x1A400] =	vst v63  }
0x48: {  	_ =	swait.ge [sflag:s19], $0x5000  }
0x49: {  	[sflag:s19] =	ssyncset.done $0x0  }
0x4a: {  	[sflag:s19] =	ssyncadd.s32 $0xFFFFB000  }
0x4b: {  	[hbm4b:s23+s2] =	stream.linear.scatter [tilespmem:s18], [sflag:$0x2], $0x5000, $0x38;
	[tilespmem:$0x1A400] =	vst v63  }
0x4c: {  	_ =	swait.ge [sflag:s20], $0x5000  }
0x4d: {  	s24 =	sshra.s32 s24, $0x2;
	[sflag:s20] =	ssyncset.done $0x0  }
0x4e: {  	s25 =	sadd.s32 $0x500, s24;
	[sflag:s20] =	ssyncadd.s32 $0xFFFFB000  }
0x4f: {  	[tilespmem:s13], [sflag:$0x1] =	stream.indirect.gather [hbm4b:s3+s12], $0x40, s25, s12, $0xb8;
	[tilespmem:$0x1A400] =	vst v63  }
0x50: {  	_ =	swait.ge [sflag:s20], $0x5000  }
0x51: {  	[sflag:s20] =	ssyncset.done $0x0  }
0x52: {  	s25 =	sadd.s32 $0x640, s24;
	[sflag:s20] =	ssyncadd.s32 $0xFFFFB000  }
0x53: {  	[tilespmem:s14], [sflag:$0x1] =	stream.indirect.gather [hbm4b:s3+s12], $0x40, s25, s12, $0xb8;
	[tilespmem:$0x1A400] =	vst v63  }
0x54: {  	_ =	swait.ge [sflag:s20], $0x5000  }
0x55: {  	[sflag:s20] =	ssyncset.done $0x0  }
.Ltmp0:
0x56: {  	s25 =	sadd.s32 $0x780, s24;
	[sflag:s20] =	ssyncadd.s32 $0xFFFFB000;
	(pc) =	sbr.rel @p0 .LBB2_2-.Ltmp0, $4  }
0x57: {  	[tilespmem:s16], [sflag:$0x1] =	stream.indirect.gather [hbm4b:s3+s12], $0x40, s25, s12, $0xb8;
	[tilespmem:$0x1A400] =	vst v63  }
0x58: {  	_ =	swait.ge [sflag:s20], $0x5000  }
0x59: {  	[sflag:s20] =	ssyncset.done $0x0  }
0x5a: {  	s23 =	sadd.s32 $0x2800, s23;
	s24 =	sadd.s32 $0x8C0, s24;
	[sflag:s20] =	ssyncadd.s32 $0xFFFFB000  }
0x5b: {  	[tilespmem:s18], [sflag:$0x1] =	stream.indirect.gather [hbm4b:s3+s12], $0x40, s24, s12, $0xb8;
	[tilespmem:$0x1A400] =	vst v63  }
0x5c: {  	_ =	swait.ge [sflag:s19], $0x5000  }
0x5d: {  	[sflag:s19] =	ssyncset.done $0x0  }
0x5e: {  	[sflag:s19] =	ssyncadd.s32 $0xFFFFB000  }
0x5f: {  	[hbm4b:s5+s2] =	stream.linear.scatter [tilespmem:s13], [sflag:$0x2], $0x5000, $0x38;
	[tilespmem:$0x1A400] =	vst v63  }
0x60: {  	_ =	swait.ge [sflag:s19], $0x5000  }
0x61: {  	[sflag:s19] =	ssyncset.done $0x0  }
0x62: {  	[sflag:s19] =	ssyncadd.s32 $0xFFFFB000  }
0x63: {  	[hbm4b:s6+s2] =	stream.linear.scatter [tilespmem:s14], [sflag:$0x2], $0x5000, $0x38;
	[tilespmem:$0x1A400] =	vst v63  }
0x64: {  	_ =	swait.ge [sflag:s19], $0x5000  }
0x65: {  	[sflag:s19] =	ssyncset.done $0x0  }
0x66: {  	[sflag:s19] =	ssyncadd.s32 $0xFFFFB000  }
0x67: {  	[hbm4b:s7+s2] =	stream.linear.scatter [tilespmem:s16], [sflag:$0x2], $0x5000, $0x38;
	[tilespmem:$0x1A400] =	vst v63  }
0x68: {  	_ =	swait.ge [sflag:s19], $0x5000  }
0x69: {  	[sflag:s19] =	ssyncset.done $0x0  }
0x6a: {  	[sflag:s19] =	ssyncadd.s32 $0xFFFFB000  }
0x6b: {  	[hbm4b:s8+s2] =	stream.linear.scatter [tilespmem:s18], [sflag:$0x2], $0x5000, $0x38;
	[tilespmem:$0x1A400] =	vst v63  }
0x6c: {  	_ =	swait.ge [sflag:s20], $0x5000  }
0x6d: {  	[sflag:s20] =	ssyncset.done $0x0  }
0x6e: {  	[sflag:s20] =	ssyncadd.s32 $0xFFFFB000  }
0x6f: {  	_ =	swait.ge [sflag:s20], $0x5000  }
0x70: {  	[sflag:s20] =	ssyncset.done $0x0  }
0x71: {  	s21 =	sadd.s32 $0x1, s21;
	[sflag:s20] =	ssyncadd.s32 $0xFFFFB000  }
0x72: {  	p0 =	sne.s32 s21, s9;
	_ =	swait.ge [sflag:s20], $0x5000  }
.Ltmp1:
0x73: {  	[sflag:s20] =	ssyncset.done $0x0;
	(pc) =	sbr.rel @p0 .LBB2_1-.Ltmp1, $4  }
0x74: {  	[sflag:s20] =	ssyncadd.s32 $0xFFFFB000  }
0x75: {  	_ =	swait.ge [sflag:s20], $0x5000  }
0x76: {  	[sflag:s20] =	ssyncset.done $0x0  }
0x77: {  	[sflag:s20] =	ssyncadd.s32 $0xFFFFB000  }
0x78: {  	_ =	sfence.sel $0x180000  }
0x79: {  	[bflag:$0x0] =	sbarrier.arrive $0xFFFF  }
0x7a: {  	p0 =	sne.s32 s0, $0x0;
	_ =	strace $0x90000047  }
0x7b: {  	s0 =	sadd.s32 @!p0 $0x100000, s1;
	[bflag:$0x2] =	sbarrier.arrive $0xFFFF  }
0x7c: {  	[sflag:s0] =	ssyncadd.tile.s32 @!p0 $0x1;
	_ =	shalt  }
.Lfunc_end2:
_tile_overlayer_lowered:
.L_overlay_start_2:
0x7d: {  	(tag) =	ssettag $0x2  }
0x7e: {  	s0 =	rddreg [dreg:$0x0];
	s2 =	stileid.u32  }
0x7f: {  	s1 =	rddreg [dreg:$0x1];
	p0 =	sne.s32 s2, $0x0  }
0x80: {  	s3 =	rddreg [dreg:$0x2];
	[bflag:$0x3] =	sbarrier.arrive $0xFFFF;
	s2 =	simm.s32 @!p0 $0x1C03  }
0x81: {  	[timem:s3], [sflag:s2] =	dma.local @!p0 [hbm:s0], s1  }
0x82: {  	s0 =	simm.s32 @!p0 $0x3  }
0x83: {  	_ =	swait.ge @!p0 [sflag:s0], s1  }
0x84: {  	s1 =	ssub.s32 @!p0 $0x0, s1;
	[sflag:s0] =	ssyncset.done @!p0 $0x0  }
0x85: {  	[sflag:s0] =	ssyncadd.s32 @!p0 s1  }
0x86: {  	[bflag:$0x3] =	sbarrier.arrive $0xFFFF  }
0x87: {  	_ =	shalt  }

// kernel: sparse-core-data-format-call.cloned.1.call-start
scs
called_computation_lowered:
.L_overlay_start_0:
0x0: {  	s2 =	sld [smem:$0x3FD9]  }
0x1: {  	s3 =	sld [smem:$0x3FFE];
	_ =	sdelay $0x1  }
0x2: {  	s1 =	srdreg.scid  }
0x3: {  	s0 =	sand.u32 $0x1, s1  }
0x4: {  	s18 =	sshll.u32 s0, $0xA;
	s2 =	sadd.s32 s3, s2  }
0x5: {  	s2 =	sadd.s32 s2, s18  }
0x6: {  	[smem:$0x3FC6] =	sst s2  }
0x7: {  	_ = 	snop  }
0x8: {  	s2 =	sld [smem:$0x3FD0];
	(tm) =	ssettm $0x1  }
0x9: {  	s19 =	sld [smem:$0x3FFB];
	_ =	sdelay $0x3  }
0xa: {  	_ =	strace s19  }
0xb: {  	s3 =	sld [smem:$0x3FFC];
	_ =	sdelay $0x3  }
0xc: {  	_ =	strace s3  }
0xd: {  	s3 =	sld [smem:$0x3FFD];
	_ =	sdelay $0x3  }
0xe: {  	_ =	strace s3  }
0xf: {  	_ =	strace $0x8FFFFFFF  }
0x10: {  	s20 =	sld [smem:$0x3FDB];
	_ =	sdelay $0x1  }
0x11: {  	s4 =	simm.s32 $_scs_section_size  }
0x12: {  	s5 =	simm.s32 $_size__tile_overlayer_lowered;
	s6 =	simm.s32 $_tile_overlayer_lowered  }
0x13: {  	s23 =	simm.s32 $0x1BFF;
	s22 =	sshll.u32 s6, $0x1;
	s3 =	sadd.s32 s4, s20  }
0x14: {  	s7 =	simm.s32 $0x0;
	s21 =	sshll.u32 s5, $0x1;
	s5 =	sadd.s32 s22, s3  }
0x15: {  	[timem:s7], [sflag:s23] =	dma.local [hbm:s5], s21  }
0x16: {  	_ =	swait.ge [sflag:s23], s21  }
0x17: {  	s4 =	ssub.s32 $0x0, s21;
	[sflag:s23] =	ssyncset.done $0x0  }
0x18: {  	[sflag:s23] =	ssyncadd.s32 s4;
	_ =	sdelay $0x1  }
0x19: {  	s24 =	simm.s32 $0x1B8B  }
0x1a: {  	_ =	swait.ge [sflag:s24], $0x1  }
0x1b: {  	[sflag:s24] =	ssyncset.done $0x0  }
0x1c: {  	s26 =	simm.s32 $0x1B8E;
	s25 =	sld [smem:$0x3FFE];
	[sflag:s24] =	ssyncadd.s32 $0xFFFFFFFF  }
0x1d: {  	s27 =	simm.s32 $execute0_lowered;
	[smem:$0x3FD2] =	sst s26  }
0x1e: {  	s5 =	sshll.u32 s27, $0x1;
	_ =	strace $0x80000049;
	[dreg:$0x1] =	wrdreg $0xFFFFFFFF  }
0x1f: {  	s28 =	simm.s32 $_size_execute0_lowered;
	s3 =	sadd.s32 s3, s5;
	[dreg:$0x0] =	wrdreg $0x0  }
0x20: {  	s5 =	sshll.u32 s28, $0x1;
	[dreg:$0x2] =	wrdreg s3  }
0x21: {  	[dreg:$0x3] =	wrdreg s5  }
0x22: {  	[dreg:$0x4] =	wrdreg $0xC0  }
0x23: {  	_ =	task [dreg:s7], $0x5FFFF  }
0x24: {  	[dreg:$0x1] =	wrdreg $0xFFFFFFFF  }
0x25: {  	[dreg:$0x0] =	wrdreg $0x60  }
0x26: {  	[dreg:$0x2] =	wrdreg s25  }
0x27: {  	[dreg:$0x3] =	wrdreg s2  }
0x28: {  	[dreg:$0x4] =	wrdreg $0x9  }
0x29: {  	_ =	task.clear_ibuf [dreg:s7], $0x5FFFF;
	_ =	strace $0x90000049  }
0x2a: {  	s29 =	simm.s32 $0x9;
	_ =	strace $0x8000004B  }
0x2b: {  	_ =	swait.ge [sflag:s29], $0x1  }
0x2c: {  	[sflag:s29] =	ssyncadd.s32 $0xFFFFFFFF  }
0x2d: {  	_ =	strace $0x9000004B  }
0x2e: {  	_ =	sfence  }
0x2f: {  	s30 =	sld [smem:$0x0];
	_ =	sdelay $0x2  }
0x30: {  	s31 =	sshll.u32 s1, $0xD;
	s1 =	sshrl.u32 s1, $0x2  }
0x31: {  	s3 =	sand.u32 $0x4000, s31;
	s1 =	sadd.s32 s1, s30  }
0x32: {  	s0 =	sor.u32 s3, s0;
	s1 =	sshll.u32 s1, $0x11  }
0x33: {  	s0 =	sor.u32 s1, s0  }
0x34: {  	s0 =	sadd.s32 $0x8F2B, s0  }
0x35: {  	[sflag:s0] =	ssyncadd.remote.s32 $0x1  }
0x36: {  	_ =	sfence.sel $0xFFFF  }
0x37: {  	[dreg:$0x0] =	wrdreg $0xFFFFFFFF;
	(pc) =	sbr.abs _section_cstart, $3  }
0x38: {  	[dreg:$0x1] =	wrdreg $0xFFFFFFFF  }
0x39: {  	_ =	task.clear_ibuf [dreg:s7], $0x2FFFF;
	_ =	strace $0x9FFFFFFF  }
0x3a: {  	(tm) =	ssettm $0x7FFFFFFF  }
0x3b: {  	_ =	shalt  }
tec
execute0_lowered:
.L_overlay_start_1:
0x0: {  	(tag) =	ssettag $0x1  }
0x1: {  	s0 =	srdreg.scid  }
0x2: {  	s1 =	sshll.u32 s0, $0x4  }
0x3: {  	s0 =	stileid.u32;
	s1 =	sand.u32 $0x10, s1  }
0x4: {  	s1 =	sor.u32 s0, s1  }
0x5: {  	s6 =	rddreg [dreg:$0x0];
	s4 =	simm.s32 $0x1;
	s2 =	sshll.u32 s1, $0x7  }
0x6: {  	s7 =	simm.s32 $0x2;
	s12 =	simm.s32 $0x0;
	s1 =	ssub.s32 $0x4000, s2  }
0x7: {  	s8 =	simm.s32 $0x20000;
	s13 =	simm.s32 $0x0;
	s3 =	sand.u32 $0xF80, s1  }
0x8: {  	s9 =	simm.s32 $0x0;
	s5 =	sshrl.u32 s1, $0xC;
	p0 =	sne.s32 s3, $0x0  }
.Ltmp0:
0x9: {  	s1 =	rddreg [dreg:$0x2];
	s4 =	simm.s32 @!p0 $0x0;
	(pc) =	sbr.rel .LBB1_1-.Ltmp0, $4  }
0xa: {  	s11 =	simm.s32 $0x0;
	s3 =	rddreg [dreg:$0x1];
	s5 =	sadd.s32 s4, s5  }
0xb: {  	_ =	strace $0x8000004A;
	s4 =	simm.s32 $0x1;
	s5 =	smul.u32 $0x32, s5  }
0xc: {  	s6 =	sadd.s32 $0x800, s6;
	s10 =	smov.u32 s2;
	[sflag:s4] =	ssyncpa.u1 $0x0  }
0xd: {  	p0 =	por $0x0, $0x0;
	[sflag:s7] =	ssyncpa.u1 $0x0;
	s7 =	sor.u32 $0x1, s5  }
.LBB1_4:
0xe: {  	s16 =	sshll.u32 s13, $0x3;
	s17 =	sand.u32 $0x78, s13  }
0xf: {  	s30 =	sand.u32 $0x1F800, s13;
	s12 =	sshll.u32 s12, $0x11;
	s16 =	sand.u32 $0x3C00, s16  }
0x10: {  	[tilespmem:s15+$0x810 ss:$0x81] =	vst.msk $0xffff, v2;
	s31 =	sand.u32 $0x7, s13;
	s16 =	sor.u32 s17, s16;
	s17 =	sadd.s32 s3, s30  }
0x11: {  	[tilespmem:s15+$0x1020 ss:$0x81] =	vst.msk $0xffff, v0;
	s13 =	sshll.u32 s31, $0x12;
	s12 =	sadd.s32 s12, s17;
	s16 =	sshrl.u32 s16, $0x3  }
0x12: {  	[tilespmem:s15+$0x0 ss:$0x81] =	vst.msk $0xffff, v1;
	s13 =	sor.u32 $0x400, s13;
	s12 =	sadd.s32 s16, s12  }
0x13: {  	[hbm4b:s12+s13] =	stream.strided.scatter [tilespmem:s14], [sflag:$0x2], $0x2000, s8, s13, $0x20;
	[tilespmem:$0x8080] =	vst v63  }
.LBB1_5:
0x14: {  	s14 =	sadd.s32 $0x1, s9  }
0x15: {  	s12 =	sadd.s32 $0x1000, s10;
	s16 =	smov.u32 s10;
	p2 =	sgt.s32 s14, $0x31  }
0x16: {  	s16 =	smov.u32 @p2 s12  }
0x17: {  	s14 =	simm.s32 @p2 $0x0;
	p2 =	sgt.s32 s16, $0x3FFF  }
0x18: {  	s16 =	smov.u32 @p2 s2;
	p2 =	sne.s32 s11, s7  }
.Ltmp1:
0x19: {  	p1 =	slt.u32 s11, $0x2;
	(pc) =	sbr.rel @!p2 .LBB1_6-.Ltmp1, $4  }
0x1a: {  	s15 =	simm.s32 @!p1 $0x2  }
0x1b: {  	s13 =	smov.u32 s10;
	p0 =	por !p0, !p0;
	_ =	swait.ge @!p1 [sflag:s15], $0x2000  }
0x1c: {  	s12 =	smov.u32 s9;
	[sflag:s15] =	ssyncset.done @!p1 $0x0;
	s9 =	smov.u32 s14  }
0x1d: {  	s11 =	sadd.s32 $0x1, s11;
	[sflag:s15] =	ssyncadd.s32 @!p1 $0xFFFFE000;
	s10 =	smov.u32 s16  }
.LBB1_1:
0x1e: {  	p1 =	sge.u32 s11, s5  }
0x1f: {  	s14 =	sand.u32 @!p1 $0x1FFFFFF, s9  }
0x20: {  	s15 =	smulhi.u32 @!p1 $0x4924925, s14;
	_ =	sdelay $0x1  }
0x21: {  	s15 =	smul.u32 @!p1 $0x38, s15  }
0x22: {  	s16 =	sxor.u32 @!p1 $0xFFFFFFFF, s11;
	s17 =	smul.u32 @!p1 $0x380, s10  }
0x23: {  	s31 =	sadd.s32 $0xFFFFFFFF, s11;
	s16 =	sshll.u32 @!p1 s16, $0xD;
	s14 =	ssub.s32 @!p1 s14, s15  }
0x24: {  	s15 =	sand.u32 @!p1 $0x2000, s16;
	s16 =	sadd.s32 @!p1 s6, s17;
	s14 =	sshll.u32 @!p1 s14, $0x4  }
0x25: {  	s17 =	simm.s32 @!p1 $0x1C00;
	s14 =	sadd.s32 @!p1 s14, s16;
	s16 =	simm.s32 @!p1 $0x40  }
0x26: {  	[tilespmem:s15], [sflag:$0x1] =	stream.strided.gather @!p1 [hbm4b:s14+s16], $0x2000, s17, s16, $0x38;
	[tilespmem:$0x8080] =	vst v63  }
0x27: {  	p1 =	sge.u32 s31, s5  }
.Ltmp2:
0x28: {  	_ = 	snop;
	(pc) =	sbr.rel @p1 .LBB1_5-.Ltmp2, $1  }
0x29: {  	_ =	sdelay $0x3  }
0x2a: {  	s14 =	simm.s32 $0x1  }
0x2b: {  	_ =	swait.ge [sflag:s4], $0x2000;
	s14 =	simm.s32 @!p0 $0x0  }
0x2c: {  	[sflag:s4] =	ssyncset.done $0x0;
	s15 =	sshll.u32 s14, $0xD  }
0x2d: {  	[sflag:s4] =	ssyncadd.s32 $0xFFFFE000;
	s18 =	sor.u32 $0x20, s15  }
0x2e: {  	s14 =	smul.u32 $0x8100, s14;
	v3 =	vld [tilespmem:s18+$0x10]  }
0x2f: {  	s30 =	sand.u32 $0x1, s11;
	v2 =	vld [tilespmem:s18+$0xFFFFFFF0]  }
0x30: {  	s15 =	smul.u32 $0x8100, s30;
	s14 =	sshrl.u32 s14, $0x2;
	v0 =	vld [tilespmem:s18+$0x0]  }
0x31: {  	v1 =	vld [tilespmem:s18+$0xFFFFFFE0];
	s16 =	sor.u32 $0x4000, s14  }
0x32: {  	s31 =	sshrl.u32 s15, $0x2;
	s15 =	sadd.s32 $0x0, s16  }
0x33: {  	s17 =	simm.s32 $0x4;
	s18 =	sadd.s32 $0x40, s18;
	s14 =	sor.u32 $0x4000, s31;
	[tilespmem:s15+$0x1830 ss:$0x81] =	vst.msk $0xffff, v3  }
.LBB1_3:
0x34: {  	v3 =	vld [tilespmem:s18+$0x10];
	p1 =	sne.s32 s17, $0x1FC;
	[tilespmem:s15+$0x810 ss:$0x81] =	vst.msk $0xffff, v2;
	s19 =	smov.u32 s17;
	s17 =	sadd.s32 $0x4, s17  }
.Ltmp3:
0x35: {  	v2 =	vld [tilespmem:s18+$0xFFFFFFF0];
	[tilespmem:s15+$0x1020 ss:$0x81] =	vst.msk $0xffff, v0;
	(pc) =	sbr.rel @p1 .LBB1_3-.Ltmp3, $4  }
0x36: {  	v0 =	vld [tilespmem:s18+$0x0];
	[tilespmem:s15+$0x0 ss:$0x81] =	vst.msk $0xffff, v1  }
0x37: {  	s15 =	sshra.s32 s19, $0x2;
	v1 =	vld [tilespmem:s18+$0xFFFFFFE0]  }
0x38: {  	s15 =	sadd.s32 s15, s16  }
0x39: {  	s18 =	sadd.s32 $0x40, s18;
	[tilespmem:s15+$0x1830 ss:$0x81] =	vst.msk $0xffff, v3  }
.Ltmp4:
0x3a: {  	_ = 	snop;
	(pc) =	sbr.rel .LBB1_4-.Ltmp4, $1  }
0x3b: {  	_ =	sdelay $0x3  }
.LBB1_6:
0x3c: {  	_ =	sfence.sel $0x180000  }
0x3d: {  	s2 =	simm.s32 $0x1;
	[bflag:$0x0] =	sbarrier.arrive $0xFFFF  }
0x3e: {  	s31 =	simm.s32 $0x2;
	[sflag:s2] =	ssyncpa.u1 $0x1  }
0x3f: {  	[sflag:s31] =	ssyncpa.u1 $0x1  }
0x40: {  	p0 =	sne.s32 s0, $0x0;
	_ =	strace $0x9000004A  }
0x41: {  	s0 =	sadd.s32 @!p0 $0x100000, s1;
	[bflag:$0x2] =	sbarrier.arrive $0xFFFF  }
0x42: {  	[sflag:s0] =	ssyncadd.tile.s32 @!p0 $0x1;
	_ =	shalt  }
.Lfunc_end1:
_tile_overlayer_lowered:
.L_overlay_start_2:
0x43: {  	(tag) =	ssettag $0x2  }
0x44: {  	s0 =	rddreg [dreg:$0x0];
	s2 =	stileid.u32  }
0x45: {  	s1 =	rddreg [dreg:$0x1];
	p0 =	sne.s32 s2, $0x0  }
0x46: {  	s3 =	rddreg [dreg:$0x2];
	[bflag:$0x3] =	sbarrier.arrive $0xFFFF;
	s2 =	simm.s32 @!p0 $0x1C01  }
0x47: {  	[timem:s3], [sflag:s2] =	dma.local @!p0 [hbm:s0], s1  }
0x48: {  	s0 =	simm.s32 @!p0 $0x1  }
0x49: {  	_ =	swait.ge @!p0 [sflag:s0], s1  }
0x4a: {  	s1 =	ssub.s32 @!p0 $0x0, s1;
	[sflag:s0] =	ssyncset.done @!p0 $0x0  }
0x4b: {  	[sflag:s0] =	ssyncadd.s32 @!p0 s1  }
0x4c: {  	[bflag:$0x3] =	sbarrier.arrive $0xFFFF  }
0x4d: {  	_ =	shalt  }

</sc_bundles>
